<compile_context>
chip_gen: v7x
topology: tpu7x:2x2x1
jax: 0.10.2.dev20260603
libtpu: 0.0.44.dev20260713+nightly
codegen_flags: <defaults>
</compile_context>

<pallas_src>
import functools

import jax
import jax.numpy as jnp
from jax import lax
from jax.experimental import pallas as pl
from jax.experimental.pallas import tpu as pltpu
from jax.experimental.pallas import tpu_sc as plsc

NQ = 8
DIM = 256
CBS = 1024
BZ = 16
TT = 2048
NW = 32
TOK_PER_W = BZ * TT // NW
C = 16
NCHUNK = TOK_PER_W // C
L = 16


def _sc_body(codec_hbm, nv_hbm, emb_hbm, out_hbm, idx_v, rows_v, out_v,
             len_v, sem):
    wid = lax.axis_index("s") * 2 + lax.axis_index("c")
    tok0 = wid * TOK_PER_W

    pltpu.sync_copy(nv_hbm.at[wid], len_v)
    nvalid = len_v[...]

    shift = (lax.iota(jnp.int32, L) & (NQ - 1)) * CBS

    def chunk(g, _):
        tok_base = tok0 + g * C
        pltpu.sync_copy(codec_hbm.at[pl.ds(tok_base * NQ, C * NQ)], idx_v)
        for j in range(C * NQ // L):
            idx_v[pl.ds(j * L, L)] = idx_v[pl.ds(j * L, L)] + shift
        pltpu.async_copy(emb_hbm.at[idx_v], rows_v, sem).wait()

        def tok(i, _):
            tpos = g * C + i
            m = jnp.where(tpos < nvalid, 1.0, 0.0).astype(jnp.float32)
            for d in range(DIM // L):
                acc = rows_v[i * NQ, pl.ds(d * L, L)]
                for q in range(1, NQ):
                    acc = acc + rows_v[i * NQ + q, pl.ds(d * L, L)]
                out_v[i, pl.ds(d * L, L)] = acc * m
            return 0

        lax.fori_loop(0, C, tok, 0)
        pltpu.sync_copy(out_v, out_hbm.at[pl.ds(tok_base, C)])
        return 0

    lax.fori_loop(0, NCHUNK, chunk, 0)


@jax.jit
def _decode(codec_flat, nv_bcast, emb):
    mesh = plsc.VectorSubcoreMesh(core_axis_name="c", subcore_axis_name="s")
    f = functools.partial(
        pl.kernel,
        mesh=mesh,
        out_type=jax.ShapeDtypeStruct((BZ * TT, DIM), jnp.float32),
        scratch_types=[
            pltpu.VMEM((C * NQ,), jnp.int32),
            pltpu.VMEM((C * NQ, DIM), jnp.float32),
            pltpu.VMEM((C, DIM), jnp.float32),
            pltpu.VMEM((L,), jnp.int32),
            pltpu.SemaphoreType.DMA,
        ],
    )(_sc_body)
    return f(codec_flat, nv_bcast, emb)


def kernel(codec, codec_lengths, embed):
    if codec.ndim == 2:
        codec = codec[:, :, None]
    codec_flat = codec.reshape(-1).astype(jnp.int32)
    emb = embed.reshape(NQ * CBS, DIM)
    w = jnp.arange(NW, dtype=jnp.int32)
    nvalid = jnp.clip(codec_lengths[w // 2] - (w % 2) * TOK_PER_W,
                      0, TOK_PER_W).astype(jnp.int32)
    nv_bcast = jnp.broadcast_to(nvalid[:, None], (NW, L))
    out = _decode(codec_flat, nv_bcast, emb)
    return (out.reshape(BZ, TT, DIM), codec_lengths)

# --- scband reference (transcript-rebuilt; emitter-appended) ---
"""Pipeline reference for scband-quantizer-codebook-81681688035693 (READ-ONLY COPY).

The authoritative reference and input builder live on the scoring server;
editing this copy changes nothing except your own understanding.
"""

import jax, jax.numpy as jnp
import numpy as np


def make_pad_mask(lengths, maxlen):
    # True where position is padding (t >= length)
    return jnp.arange(maxlen)[None, :] >= lengths[:, None]


def setup_inputs(seed: int = 0) -> dict:
    key = jax.random.key(seed)
    k1, k2, k3 = jax.random.split(key, 3)
    codec = jax.random.randint(k1, (16, 2048, 8), 0, 1024, dtype=jnp.int32)
    codec_lengths = jax.random.randint(k2, (16,), 1, 2049, dtype=jnp.int32)
    # learned codebook buffer: [num_quantizers=8, codebook_size=1024, codebook_dim=256]
    embed = jax.random.normal(k3, (8, 1024, 256), dtype=jnp.float32) * 0.02
    return {"codec": codec, "codec_lengths": codec_lengths, "embed": embed}


def reference(codec, codec_lengths, embed):
    if codec.ndim == 2:
        codec = codec[:, :, None]
    bz, tt, nq = codec.shape
    codebook_dim = embed.shape[-1]
    # valid-position mask: ~pad_mask, shape [bz, tt, 1]
    codec_mask = (~make_pad_mask(codec_lengths, tt))[:, :, None]
    # codec_index_shift = 1024 * arange(32)[None, None, :nq]
    shift = (1024.0 * jnp.arange(32, dtype=jnp.float32))[None, None, :nq].astype(jnp.int32)
    idx = codec * codec_mask.astype(codec.dtype) + shift
    idx = idx.reshape(-1, nq)
    emb = embed.reshape(-1, codebook_dim)
    codec_emb = jnp.take(emb, idx, axis=0)  # [bz*tt, nq, dim]
    dense_emb = codec_emb.sum(axis=1)
    dense_emb = dense_emb.reshape(bz, tt, codebook_dim)
    dense_emb = dense_emb * codec_mask.astype(dense_emb.dtype)
    return (dense_emb, codec_lengths)

if __name__ == "__main__":
    import jax
    _d = setup_inputs()
    print(jax.jit(kernel)(*tuple(_d.values())))

</pallas_src>

<mosaic_0001>
#map = affine_map<(d0, d1) -> (0)>
#map1 = affine_map<(d0, d1) -> (0, 0)>
module attributes {stable_mosaic.version = 14 : i64} {
  func.func @_sc_body(%arg0: i32, %arg1: i32, %arg2: memref<262144xi32, #tpu.memory_space<hbm>>, %arg3: memref<32x16xi32, #tpu.memory_space<hbm>>, %arg4: memref<8192x256xf32, #tpu.memory_space<hbm>>, %arg5: memref<32768x256xf32, #tpu.memory_space<hbm>>, %arg6: memref<128xi32, #tpu.memory_space<vmem>>, %arg7: memref<128x256xf32, #tpu.memory_space<vmem>>, %arg8: memref<16x256xf32, #tpu.memory_space<vmem>>, %arg9: memref<16xi32, #tpu.memory_space<vmem>>, %arg10: memref<!tpu.dma_semaphore, #tpu.memory_space<semaphore_mem>>) attributes {dimension_semantics = [#tpu.dimension_semantics<core_parallel>, #tpu.dimension_semantics<subcore_parallel>], iteration_bounds = array<i64: 2, 16>, scalar_prefetch = 0 : i64, scratch_operands = 5 : i64, tpu.core_type = #tpu.core_type<sc_vector_subcore>, window_params = [{transform_indices = #map}, {transform_indices = #map1}, {transform_indices = #map1}, {transform_indices = #map1}]} {
    %mul3A = arith.constant 2 : i32
    %mul3A_0 = arith.muli %arg1, %mul3A : i32
    %add3A = arith.addi %mul3A_0, %arg0 : i32
    %mul3A_1 = arith.constant 1024 : i32
    %mul3A_2 = arith.muli %add3A, %mul3A_1 : i32
    "tpu.region"() ({
      %run_scoped3A = tpu.sem_alloc : memref<!tpu.dma_semaphore, #tpu.memory_space<semaphore_mem>>
      %dma_start3A = arith.constant 0 : i32
      %dma_start3A_16 = tpu.memref_slice %arg3[%add3A, %dma_start3A] : memref<32x16xi32, #tpu.memory_space<hbm>> -> memref<1x16xi32, #tpu.memory_space<hbm>>
      %dma_start3A_17 = tpu.memref_squeeze %dma_start3A_16 : memref<1x16xi32, #tpu.memory_space<hbm>> -> memref<16xi32, #tpu.memory_space<hbm>>
      %dma_start3A_18 = arith.constant 0 : i32
      %dma_start3A_19 = tpu.memref_slice %arg3[%add3A, %dma_start3A_18] : memref<32x16xi32, #tpu.memory_space<hbm>> -> memref<1x16xi32, #tpu.memory_space<hbm>>
      %dma_start3A_20 = tpu.memref_squeeze %dma_start3A_19 : memref<1x16xi32, #tpu.memory_space<hbm>> -> memref<16xi32, #tpu.memory_space<hbm>>
      tpu.enqueue_dma source(%dma_start3A_20 : memref<16xi32, #tpu.memory_space<hbm>>) target(%arg9 : memref<16xi32, #tpu.memory_space<vmem>>) target_semaphore(%run_scoped3A : memref<!tpu.dma_semaphore, #tpu.memory_space<semaphore_mem>>)
      %dma_wait3A = arith.constant 0 : i32
      %dma_wait3A_21 = tpu.memref_slice %arg3[%add3A, %dma_wait3A] : memref<32x16xi32, #tpu.memory_space<hbm>> -> memref<1x16xi32, #tpu.memory_space<hbm>>
      %dma_wait3A_22 = tpu.memref_squeeze %dma_wait3A_21 : memref<1x16xi32, #tpu.memory_space<hbm>> -> memref<16xi32, #tpu.memory_space<hbm>>
      %dma_wait3A_23 = arith.constant 0 : i32
      %dma_wait3A_24 = tpu.memref_slice %arg3[%add3A, %dma_wait3A_23] : memref<32x16xi32, #tpu.memory_space<hbm>> -> memref<1x16xi32, #tpu.memory_space<hbm>>
      %dma_wait3A_25 = tpu.memref_squeeze %dma_wait3A_24 : memref<1x16xi32, #tpu.memory_space<hbm>> -> memref<16xi32, #tpu.memory_space<hbm>>
      tpu.wait_dma2 semaphore(%run_scoped3A : memref<!tpu.dma_semaphore, #tpu.memory_space<semaphore_mem>>) src(%dma_wait3A_25 : memref<16xi32, #tpu.memory_space<hbm>>) dst(%arg9 : memref<16xi32, #tpu.memory_space<vmem>>)
      tpu.yield
    }) : () -> ()
    %get3A = arith.constant 0 : index
    %get3A_3 = tpu.vector_load %arg9[%get3A] {strides = array<i32>} : memref<16xi32, #tpu.memory_space<vmem>>, vector<16xi32>,
    %get3A_4 = vector.shape_cast %get3A_3 : vector<16xi32> to vector<16xi32>
    %iota3A = tpu.iota {dimensions = array<i32: 0>} : vector<16xi32>
    %and3A = arith.constant 7 : i32
    %and3A_5 = vector.broadcast %and3A : i32 to vector<16xi32>
    %and3A_6 = arith.andi %iota3A, %and3A_5 : vector<16xi32>
    %mul3A_7 = arith.constant 1024 : i32
    %mul3A_8 = vector.broadcast %mul3A_7 : i32 to vector<16xi32>
    %mul3A_9 = arith.muli %and3A_6, %mul3A_8 : vector<16xi32>
    %scan3A = arith.constant 0 : i32
    %scan3A_10 = arith.constant 0 : i32
    %scan3A_11 = arith.constant 64 : i32
    %scan3A_12 = arith.addi %scan3A_10, %scan3A_11 : i32
    %scan3A_13 = arith.constant 1 : i32
    %scan3A_14 = scf.for %scan3A_16 = %scan3A_10 to %scan3A_12 step %scan3A_13 iter_args(%scan3A_17 = %scan3A) -> (i32)  : i32 {
      %mul3A_18 = arith.constant 16 : i32
      %mul3A_19 = arith.muli %scan3A_16, %mul3A_18 : i32
      %add3A_20 = arith.addi %mul3A_2, %mul3A_19 : i32
      %mul3A_21 = arith.constant 8 : i32
      %mul3A_22 = arith.muli %add3A_20, %mul3A_21 : i32
      "tpu.region"() ({
        %run_scoped3A = tpu.sem_alloc : memref<!tpu.dma_semaphore, #tpu.memory_space<semaphore_mem>>
        %dma_start3A_98 = tpu.memref_slice %arg2[%mul3A_22] : memref<262144xi32, #tpu.memory_space<hbm>> -> memref<128xi32, #tpu.memory_space<hbm>>
        %dma_start3A_99 = tpu.memref_slice %arg2[%mul3A_22] : memref<262144xi32, #tpu.memory_space<hbm>> -> memref<128xi32, #tpu.memory_space<hbm>>
        tpu.enqueue_dma source(%dma_start3A_99 : memref<128xi32, #tpu.memory_space<hbm>>) target(%arg6 : memref<128xi32, #tpu.memory_space<vmem>>) target_semaphore(%run_scoped3A : memref<!tpu.dma_semaphore, #tpu.memory_space<semaphore_mem>>)
        %dma_wait3A_100 = tpu.memref_slice %arg2[%mul3A_22] : memref<262144xi32, #tpu.memory_space<hbm>> -> memref<128xi32, #tpu.memory_space<hbm>>
        %dma_wait3A_101 = tpu.memref_slice %arg2[%mul3A_22] : memref<262144xi32, #tpu.memory_space<hbm>> -> memref<128xi32, #tpu.memory_space<hbm>>
        tpu.wait_dma2 semaphore(%run_scoped3A : memref<!tpu.dma_semaphore, #tpu.memory_space<semaphore_mem>>) src(%dma_wait3A_101 : memref<128xi32, #tpu.memory_space<hbm>>) dst(%arg6 : memref<128xi32, #tpu.memory_space<vmem>>)
        tpu.yield
      }) : () -> ()
      %get3A_23 = arith.constant 0 : index
      %get3A_24 = tpu.vector_load %arg6[%get3A_23] {strides = array<i32>} : memref<128xi32, #tpu.memory_space<vmem>>, vector<16xi32>,
      %get3A_25 = vector.shape_cast %get3A_24 : vector<16xi32> to vector<16xi32>
      %add3A_26 = arith.addi %get3A_25, %mul3A_9 : vector<16xi32>
      %swap3A = arith.constant 0 : index
      %swap3A_27 = tpu.vector_load %arg6[%swap3A] {strides = array<i32>} : memref<128xi32, #tpu.memory_space<vmem>>, vector<16xi32>,
      %swap3A_28 = vector.shape_cast %swap3A_27 : vector<16xi32> to vector<16xi32>
      %swap3A_29 = vector.shape_cast %add3A_26 : vector<16xi32> to vector<16xi32>
      tpu.vector_store %arg6[%swap3A], %swap3A_29 {strides = array<i32>} : memref<128xi32, #tpu.memory_space<vmem>>, vector<16xi32>,
      %get3A_30 = arith.constant 16 : index
      %get3A_31 = tpu.vector_load %arg6[%get3A_30] {strides = array<i32>} : memref<128xi32, #tpu.memory_space<vmem>>, vector<16xi32>,
      %get3A_32 = vector.shape_cast %get3A_31 : vector<16xi32> to vector<16xi32>
      %add3A_33 = arith.addi %get3A_32, %mul3A_9 : vector<16xi32>
      %swap3A_34 = arith.constant 16 : index
      %swap3A_35 = tpu.vector_load %arg6[%swap3A_34] {strides = array<i32>} : memref<128xi32, #tpu.memory_space<vmem>>, vector<16xi32>,
      %swap3A_36 = vector.shape_cast %swap3A_35 : vector<16xi32> to vector<16xi32>
      %swap3A_37 = vector.shape_cast %add3A_33 : vector<16xi32> to vector<16xi32>
      tpu.vector_store %arg6[%swap3A_34], %swap3A_37 {strides = array<i32>} : memref<128xi32, #tpu.memory_space<vmem>>, vector<16xi32>,
      %get3A_38 = arith.constant 32 : index
      %get3A_39 = tpu.vector_load %arg6[%get3A_38] {strides = array<i32>} : memref<128xi32, #tpu.memory_space<vmem>>, vector<16xi32>,
      %get3A_40 = vector.shape_cast %get3A_39 : vector<16xi32> to vector<16xi32>
      %add3A_41 = arith.addi %get3A_40, %mul3A_9 : vector<16xi32>
      %swap3A_42 = arith.constant 32 : index
      %swap3A_43 = tpu.vector_load %arg6[%swap3A_42] {strides = array<i32>} : memref<128xi32, #tpu.memory_space<vmem>>, vector<16xi32>,
      %swap3A_44 = vector.shape_cast %swap3A_43 : vector<16xi32> to vector<16xi32>
      %swap3A_45 = vector.shape_cast %add3A_41 : vector<16xi32> to vector<16xi32>
      tpu.vector_store %arg6[%swap3A_42], %swap3A_45 {strides = array<i32>} : memref<128xi32, #tpu.memory_space<vmem>>, vector<16xi32>,
      %get3A_46 = arith.constant 48 : index
      %get3A_47 = tpu.vector_load %arg6[%get3A_46] {strides = array<i32>} : memref<128xi32, #tpu.memory_space<vmem>>, vector<16xi32>,
      %get3A_48 = vector.shape_cast %get3A_47 : vector<16xi32> to vector<16xi32>
      %add3A_49 = arith.addi %get3A_48, %mul3A_9 : vector<16xi32>
      %swap3A_50 = arith.constant 48 : index
      %swap3A_51 = tpu.vector_load %arg6[%swap3A_50] {strides = array<i32>} : memref<128xi32, #tpu.memory_space<vmem>>, vector<16xi32>,
      %swap3A_52 = vector.shape_cast %swap3A_51 : vector<16xi32> to vector<16xi32>
      %swap3A_53 = vector.shape_cast %add3A_49 : vector<16xi32> to vector<16xi32>
      tpu.vector_store %arg6[%swap3A_50], %swap3A_53 {strides = array<i32>} : memref<128xi32, #tpu.memory_space<vmem>>, vector<16xi32>,
      %get3A_54 = arith.constant 64 : index
      %get3A_55 = tpu.vector_load %arg6[%get3A_54] {strides = array<i32>} : memref<128xi32, #tpu.memory_space<vmem>>, vector<16xi32>,
      %get3A_56 = vector.shape_cast %get3A_55 : vector<16xi32> to vector<16xi32>
      %add3A_57 = arith.addi %get3A_56, %mul3A_9 : vector<16xi32>
      %swap3A_58 = arith.constant 64 : index
      %swap3A_59 = tpu.vector_load %arg6[%swap3A_58] {strides = array<i32>} : memref<128xi32, #tpu.memory_space<vmem>>, vector<16xi32>,
      %swap3A_60 = vector.shape_cast %swap3A_59 : vector<16xi32> to vector<16xi32>
      %swap3A_61 = vector.shape_cast %add3A_57 : vector<16xi32> to vector<16xi32>
      tpu.vector_store %arg6[%swap3A_58], %swap3A_61 {strides = array<i32>} : memref<128xi32, #tpu.memory_space<vmem>>, vector<16xi32>,
      %get3A_62 = arith.constant 80 : index
      %get3A_63 = tpu.vector_load %arg6[%get3A_62] {strides = array<i32>} : memref<128xi32, #tpu.memory_space<vmem>>, vector<16xi32>,
      %get3A_64 = vector.shape_cast %get3A_63 : vector<16xi32> to vector<16xi32>
      %add3A_65 = arith.addi %get3A_64, %mul3A_9 : vector<16xi32>
      %swap3A_66 = arith.constant 80 : index
      %swap3A_67 = tpu.vector_load %arg6[%swap3A_66] {strides = array<i32>} : memref<128xi32, #tpu.memory_space<vmem>>, vector<16xi32>,
      %swap3A_68 = vector.shape_cast %swap3A_67 : vector<16xi32> to vector<16xi32>
      %swap3A_69 = vector.shape_cast %add3A_65 : vector<16xi32> to vector<16xi32>
      tpu.vector_store %arg6[%swap3A_66], %swap3A_69 {strides = array<i32>} : memref<128xi32, #tpu.memory_space<vmem>>, vector<16xi32>,
      %get3A_70 = arith.constant 96 : index
      %get3A_71 = tpu.vector_load %arg6[%get3A_70] {strides = array<i32>} : memref<128xi32, #tpu.memory_space<vmem>>, vector<16xi32>,
      %get3A_72 = vector.shape_cast %get3A_71 : vector<16xi32> to vector<16xi32>
      %add3A_73 = arith.addi %get3A_72, %mul3A_9 : vector<16xi32>
      %swap3A_74 = arith.constant 96 : index
      %swap3A_75 = tpu.vector_load %arg6[%swap3A_74] {strides = array<i32>} : memref<128xi32, #tpu.memory_space<vmem>>, vector<16xi32>,
      %swap3A_76 = vector.shape_cast %swap3A_75 : vector<16xi32> to vector<16xi32>
      %swap3A_77 = vector.shape_cast %add3A_73 : vector<16xi32> to vector<16xi32>
      tpu.vector_store %arg6[%swap3A_74], %swap3A_77 {strides = array<i32>} : memref<128xi32, #tpu.memory_space<vmem>>, vector<16xi32>,
      %get3A_78 = arith.constant 112 : index
      %get3A_79 = tpu.vector_load %arg6[%get3A_78] {strides = array<i32>} : memref<128xi32, #tpu.memory_space<vmem>>, vector<16xi32>,
      %get3A_80 = vector.shape_cast %get3A_79 : vector<16xi32> to vector<16xi32>
      %add3A_81 = arith.addi %get3A_80, %mul3A_9 : vector<16xi32>
      %swap3A_82 = arith.constant 112 : index
      %swap3A_83 = tpu.vector_load %arg6[%swap3A_82] {strides = array<i32>} : memref<128xi32, #tpu.memory_space<vmem>>, vector<16xi32>,
      %swap3A_84 = vector.shape_cast %swap3A_83 : vector<16xi32> to vector<16xi32>
      %swap3A_85 = vector.shape_cast %add3A_81 : vector<16xi32> to vector<16xi32>
      tpu.vector_store %arg6[%swap3A_82], %swap3A_85 {strides = array<i32>} : memref<128xi32, #tpu.memory_space<vmem>>, vector<16xi32>,
      %dma_start3A = arith.constant 0 : i32
      %dma_start3A_86 = arith.constant 0 : i32
      %dma_start3A_87 = tpu.memref_slice %arg4[%dma_start3A, %dma_start3A_86] : memref<8192x256xf32, #tpu.memory_space<hbm>> -> memref<8192x256xf32, #tpu.memory_space<hbm>>
      tpu.enqueue_indirect_dma source(%dma_start3A_87 : memref<8192x256xf32, #tpu.memory_space<hbm>>) target(%arg7 : memref<128x256xf32, #tpu.memory_space<vmem>>) offsets(%arg6 : memref<128xi32, #tpu.memory_space<vmem>>) semaphore(%arg10 : memref<!tpu.dma_semaphore, #tpu.memory_space<semaphore_mem>>)
      %dma_wait3A = arith.constant 0 : i32
      %dma_wait3A_88 = arith.constant 0 : i32
      %dma_wait3A_89 = tpu.memref_slice %arg4[%dma_wait3A, %dma_wait3A_88] : memref<8192x256xf32, #tpu.memory_space<hbm>> -> memref<8192x256xf32, #tpu.memory_space<hbm>>
      tpu.wait_indirect_dma semaphore(%arg10 : memref<!tpu.dma_semaphore, #tpu.memory_space<semaphore_mem>>) src(%dma_wait3A_89 : memref<8192x256xf32, #tpu.memory_space<hbm>>) dst(%arg7 : memref<128x256xf32, #tpu.memory_space<vmem>>)
      %scan3A_90 = arith.constant 0 : i32
      %scan3A_91 = arith.constant 0 : i32
      %scan3A_92 = arith.constant 16 : i32
      %scan3A_93 = arith.addi %scan3A_91, %scan3A_92 : i32
      %scan3A_94 = arith.constant 1 : i32
      %scan3A_95 = scf.for %scan3A_98 = %scan3A_91 to %scan3A_93 step %scan3A_94 iter_args(%scan3A_99 = %scan3A_90) -> (i32)  : i32 {
        %mul3A_100 = arith.constant 16 : i32
        %mul3A_101 = arith.muli %scan3A_16, %mul3A_100 : i32
        %add3A_102 = arith.addi %mul3A_101, %scan3A_98 : i32
        %lt3A = vector.broadcast %add3A_102 : i32 to vector<16xi32>
        %lt3A_103 = arith.cmpi slt, %lt3A, %get3A_4 : vector<16xi32>
        %jit3A = arith.constant 1.000000e+00 : f32
        %jit3A_104 = arith.constant 0.000000e+00 : f32
        %broadcast_in_dim3A = vector.broadcast %jit3A : f32 to vector<16xf32>
        %broadcast_in_dim3A_105 = vector.broadcast %jit3A_104 : f32 to vector<16xf32>
        %select_n3A = arith.select %lt3A_103, %broadcast_in_dim3A, %broadcast_in_dim3A_105 : vector<16xi1>, vector<16xf32>
        %mul3A_106 = arith.constant 8 : i32
        %mul3A_107 = arith.muli %scan3A_98, %mul3A_106 : i32
        %get3A_108 = arith.index_cast %mul3A_107 : i32 to index
        %get3A_109 = arith.constant 0 : index
        %get3A_110 = tpu.vector_load %arg7[%get3A_108, %get3A_109] {strides = array<i32>} : memref<128x256xf32, #tpu.memory_space<vmem>>, vector<1x16xf32>,
        %get3A_111 = vector.shape_cast %get3A_110 : vector<1x16xf32> to vector<16xf32>
        %mul3A_112 = arith.constant 8 : i32
        %mul3A_113 = arith.muli %scan3A_98, %mul3A_112 : i32
        %add3A_114 = arith.constant 1 : i32
        %add3A_115 = arith.addi %mul3A_113, %add3A_114 : i32
        %get3A_116 = arith.index_cast %add3A_115 : i32 to index
        %get3A_117 = arith.constant 0 : index
        %get3A_118 = tpu.vector_load %arg7[%get3A_116, %get3A_117] {strides = array<i32>} : memref<128x256xf32, #tpu.memory_space<vmem>>, vector<1x16xf32>,
        %get3A_119 = vector.shape_cast %get3A_118 : vector<1x16xf32> to vector<16xf32>
        %add3A_120 = arith.addf %get3A_111, %get3A_119 : vector<16xf32>
        %mul3A_121 = arith.constant 8 : i32
        %mul3A_122 = arith.muli %scan3A_98, %mul3A_121 : i32
        %add3A_123 = arith.constant 2 : i32
        %add3A_124 = arith.addi %mul3A_122, %add3A_123 : i32
        %get3A_125 = arith.index_cast %add3A_124 : i32 to index
        %get3A_126 = arith.constant 0 : index
        %get3A_127 = tpu.vector_load %arg7[%get3A_125, %get3A_126] {strides = array<i32>} : memref<128x256xf32, #tpu.memory_space<vmem>>, vector<1x16xf32>,
        %get3A_128 = vector.shape_cast %get3A_127 : vector<1x16xf32> to vector<16xf32>
        %add3A_129 = arith.addf %add3A_120, %get3A_128 : vector<16xf32>
        %mul3A_130 = arith.constant 8 : i32
        %mul3A_131 = arith.muli %scan3A_98, %mul3A_130 : i32
        %add3A_132 = arith.constant 3 : i32
        %add3A_133 = arith.addi %mul3A_131, %add3A_132 : i32
        %get3A_134 = arith.index_cast %add3A_133 : i32 to index
        %get3A_135 = arith.constant 0 : index
        %get3A_136 = tpu.vector_load %arg7[%get3A_134, %get3A_135] {strides = array<i32>} : memref<128x256xf32, #tpu.memory_space<vmem>>, vector<1x16xf32>,
        %get3A_137 = vector.shape_cast %get3A_136 : vector<1x16xf32> to vector<16xf32>
        %add3A_138 = arith.addf %add3A_129, %get3A_137 : vector<16xf32>
        %mul3A_139 = arith.constant 8 : i32
        %mul3A_140 = arith.muli %scan3A_98, %mul3A_139 : i32
        %add3A_141 = arith.constant 4 : i32
        %add3A_142 = arith.addi %mul3A_140, %add3A_141 : i32
        %get3A_143 = arith.index_cast %add3A_142 : i32 to index
        %get3A_144 = arith.constant 0 : index
        %get3A_145 = tpu.vector_load %arg7[%get3A_143, %get3A_144] {strides = array<i32>} : memref<128x256xf32, #tpu.memory_space<vmem>>, vector<1x16xf32>,
        %get3A_146 = vector.shape_cast %get3A_145 : vector<1x16xf32> to vector<16xf32>
        %add3A_147 = arith.addf %add3A_138, %get3A_146 : vector<16xf32>
        %mul3A_148 = arith.constant 8 : i32
        %mul3A_149 = arith.muli %scan3A_98, %mul3A_148 : i32
        %add3A_150 = arith.constant 5 : i32
        %add3A_151 = arith.addi %mul3A_149, %add3A_150 : i32
        %get3A_152 = arith.index_cast %add3A_151 : i32 to index
        %get3A_153 = arith.constant 0 : index
        %get3A_154 = tpu.vector_load %arg7[%get3A_152, %get3A_153] {strides = array<i32>} : memref<128x256xf32, #tpu.memory_space<vmem>>, vector<1x16xf32>,
        %get3A_155 = vector.shape_cast %get3A_154 : vector<1x16xf32> to vector<16xf32>
        %add3A_156 = arith.addf %add3A_147, %get3A_155 : vector<16xf32>
        %mul3A_157 = arith.constant 8 : i32
        %mul3A_158 = arith.muli %scan3A_98, %mul3A_157 : i32
        %add3A_159 = arith.constant 6 : i32
        %add3A_160 = arith.addi %mul3A_158, %add3A_159 : i32
        %get3A_161 = arith.index_cast %add3A_160 : i32 to index
        %get3A_162 = arith.constant 0 : index
        %get3A_163 = tpu.vector_load %arg7[%get3A_161, %get3A_162] {strides = array<i32>} : memref<128x256xf32, #tpu.memory_space<vmem>>, vector<1x16xf32>,
        %get3A_164 = vector.shape_cast %get3A_163 : vector<1x16xf32> to vector<16xf32>
        %add3A_165 = arith.addf %add3A_156, %get3A_164 : vector<16xf32>
        %mul3A_166 = arith.constant 8 : i32
        %mul3A_167 = arith.muli %scan3A_98, %mul3A_166 : i32
        %add3A_168 = arith.constant 7 : i32
        %add3A_169 = arith.addi %mul3A_167, %add3A_168 : i32
        %get3A_170 = arith.index_cast %add3A_169 : i32 to index
        %get3A_171 = arith.constant 0 : index
        %get3A_172 = tpu.vector_load %arg7[%get3A_170, %get3A_171] {strides = array<i32>} : memref<128x256xf32, #tpu.memory_space<vmem>>, vector<1x16xf32>,
        %get3A_173 = vector.shape_cast %get3A_172 : vector<1x16xf32> to vector<16xf32>
        %add3A_174 = arith.addf %add3A_165, %get3A_173 : vector<16xf32>
        %mul3A_175 = arith.mulf %add3A_174, %select_n3A : vector<16xf32>
        %swap3A_176 = arith.index_cast %scan3A_98 : i32 to index
        %swap3A_177 = arith.constant 0 : index
        %swap3A_178 = tpu.vector_load %arg8[%swap3A_176, %swap3A_177] {strides = array<i32>} : memref<16x256xf32, #tpu.memory_space<vmem>>, vector<1x16xf32>,
        %swap3A_179 = vector.shape_cast %swap3A_178 : vector<1x16xf32> to vector<16xf32>
        %swap3A_180 = vector.shape_cast %mul3A_175 : vector<16xf32> to vector<1x16xf32>
        tpu.vector_store %arg8[%swap3A_176, %swap3A_177], %swap3A_180 {strides = array<i32>} : memref<16x256xf32, #tpu.memory_space<vmem>>, vector<1x16xf32>,
        %mul3A_181 = arith.constant 8 : i32
        %mul3A_182 = arith.muli %scan3A_98, %mul3A_181 : i32
        %get3A_183 = arith.index_cast %mul3A_182 : i32 to index
        %get3A_184 = arith.constant 16 : index
        %get3A_185 = tpu.vector_load %arg7[%get3A_183, %get3A_184] {strides = array<i32>} : memref<128x256xf32, #tpu.memory_space<vmem>>, vector<1x16xf32>,
        %get3A_186 = vector.shape_cast %get3A_185 : vector<1x16xf32> to vector<16xf32>
        %mul3A_187 = arith.constant 8 : i32
        %mul3A_188 = arith.muli %scan3A_98, %mul3A_187 : i32
        %add3A_189 = arith.constant 1 : i32
        %add3A_190 = arith.addi %mul3A_188, %add3A_189 : i32
        %get3A_191 = arith.index_cast %add3A_190 : i32 to index
        %get3A_192 = arith.constant 16 : index
        %get3A_193 = tpu.vector_load %arg7[%get3A_191, %get3A_192] {strides = array<i32>} : memref<128x256xf32, #tpu.memory_space<vmem>>, vector<1x16xf32>,
        %get3A_194 = vector.shape_cast %get3A_193 : vector<1x16xf32> to vector<16xf32>
        %add3A_195 = arith.addf %get3A_186, %get3A_194 : vector<16xf32>
        %mul3A_196 = arith.constant 8 : i32
        %mul3A_197 = arith.muli %scan3A_98, %mul3A_196 : i32
        %add3A_198 = arith.constant 2 : i32
        %add3A_199 = arith.addi %mul3A_197, %add3A_198 : i32
        %get3A_200 = arith.index_cast %add3A_199 : i32 to index
        %get3A_201 = arith.constant 16 : index
        %get3A_202 = tpu.vector_load %arg7[%get3A_200, %get3A_201] {strides = array<i32>} : memref<128x256xf32, #tpu.memory_space<vmem>>, vector<1x16xf32>,
        %get3A_203 = vector.shape_cast %get3A_202 : vector<1x16xf32> to vector<16xf32>
        %add3A_204 = arith.addf %add3A_195, %get3A_203 : vector<16xf32>
        %mul3A_205 = arith.constant 8 : i32
        %mul3A_206 = arith.muli %scan3A_98, %mul3A_205 : i32
        %add3A_207 = arith.constant 3 : i32
        %add3A_208 = arith.addi %mul3A_206, %add3A_207 : i32
        %get3A_209 = arith.index_cast %add3A_208 : i32 to index
        %get3A_210 = arith.constant 16 : index
        %get3A_211 = tpu.vector_load %arg7[%get3A_209, %get3A_210] {strides = array<i32>} : memref<128x256xf32, #tpu.memory_space<vmem>>, vector<1x16xf32>,
        %get3A_212 = vector.shape_cast %get3A_211 : vector<1x16xf32> to vector<16xf32>
        %add3A_213 = arith.addf %add3A_204, %get3A_212 : vector<16xf32>
        %mul3A_214 = arith.constant 8 : i32
        %mul3A_215 = arith.muli %scan3A_98, %mul3A_214 : i32
        %add3A_216 = arith.constant 4 : i32
        %add3A_217 = arith.addi %mul3A_215, %add3A_216 : i32
        %get3A_218 = arith.index_cast %add3A_217 : i32 to index
        %get3A_219 = arith.constant 16 : index
        %get3A_220 = tpu.vector_load %arg7[%get3A_218, %get3A_219] {strides = array<i32>} : memref<128x256xf32, #tpu.memory_space<vmem>>, vector<1x16xf32>,
        %get3A_221 = vector.shape_cast %get3A_220 : vector<1x16xf32> to vector<16xf32>
        %add3A_222 = arith.addf %add3A_213, %get3A_221 : vector<16xf32>
        %mul3A_223 = arith.constant 8 : i32
        %mul3A_224 = arith.muli %scan3A_98, %mul3A_223 : i32
        %add3A_225 = arith.constant 5 : i32
        %add3A_226 = arith.addi %mul3A_224, %add3A_225 : i32
        %get3A_227 = arith.index_cast %add3A_226 : i32 to index
        %get3A_228 = arith.constant 16 : index
        %get3A_229 = tpu.vector_load %arg7[%get3A_227, %get3A_228] {strides = array<i32>} : memref<128x256xf32, #tpu.memory_space<vmem>>, vector<1x16xf32>,
        %get3A_230 = vector.shape_cast %get3A_229 : vector<1x16xf32> to vector<16xf32>
        %add3A_231 = arith.addf %add3A_222, %get3A_230 : vector<16xf32>
        %mul3A_232 = arith.constant 8 : i32
        %mul3A_233 = arith.muli %scan3A_98, %mul3A_232 : i32
        %add3A_234 = arith.constant 6 : i32
        %add3A_235 = arith.addi %mul3A_233, %add3A_234 : i32
        %get3A_236 = arith.index_cast %add3A_235 : i32 to index
        %get3A_237 = arith.constant 16 : index
        %get3A_238 = tpu.vector_load %arg7[%get3A_236, %get3A_237] {strides = array<i32>} : memref<128x256xf32, #tpu.memory_space<vmem>>, vector<1x16xf32>,
        %get3A_239 = vector.shape_cast %get3A_238 : vector<1x16xf32> to vector<16xf32>
        %add3A_240 = arith.addf %add3A_231, %get3A_239 : vector<16xf32>
        %mul3A_241 = arith.constant 8 : i32
        %mul3A_242 = arith.muli %scan3A_98, %mul3A_241 : i32
        %add3A_243 = arith.constant 7 : i32
        %add3A_244 = arith.addi %mul3A_242, %add3A_243 : i32
        %get3A_245 = arith.index_cast %add3A_244 : i32 to index
        %get3A_246 = arith.constant 16 : index
        %get3A_247 = tpu.vector_load %arg7[%get3A_245, %get3A_246] {strides = array<i32>} : memref<128x256xf32, #tpu.memory_space<vmem>>, vector<1x16xf32>,
        %get3A_248 = vector.shape_cast %get3A_247 : vector<1x16xf32> to vector<16xf32>
        %add3A_249 = arith.addf %add3A_240, %get3A_248 : vector<16xf32>
        %mul3A_250 = arith.mulf %add3A_249, %select_n3A : vector<16xf32>
        %swap3A_251 = arith.index_cast %scan3A_98 : i32 to index
        %swap3A_252 = arith.constant 16 : index
        %swap3A_253 = tpu.vector_load %arg8[%swap3A_251, %swap3A_252] {strides = array<i32>} : memref<16x256xf32, #tpu.memory_space<vmem>>, vector<1x16xf32>,
        %swap3A_254 = vector.shape_cast %swap3A_253 : vector<1x16xf32> to vector<16xf32>
        %swap3A_255 = vector.shape_cast %mul3A_250 : vector<16xf32> to vector<1x16xf32>
        tpu.vector_store %arg8[%swap3A_251, %swap3A_252], %swap3A_255 {strides = array<i32>} : memref<16x256xf32, #tpu.memory_space<vmem>>, vector<1x16xf32>,
        %mul3A_256 = arith.constant 8 : i32
        %mul3A_257 = arith.muli %scan3A_98, %mul3A_256 : i32
        %get3A_258 = arith.index_cast %mul3A_257 : i32 to index
        %get3A_259 = arith.constant 32 : index
        %get3A_260 = tpu.vector_load %arg7[%get3A_258, %get3A_259] {strides = array<i32>} : memref<128x256xf32, #tpu.memory_space<vmem>>, vector<1x16xf32>,
        %get3A_261 = vector.shape_cast %get3A_260 : vector<1x16xf32> to vector<16xf32>
        %mul3A_262 = arith.constant 8 : i32
        %mul3A_263 = arith.muli %scan3A_98, %mul3A_262 : i32
        %add3A_264 = arith.constant 1 : i32
        %add3A_265 = arith.addi %mul3A_263, %add3A_264 : i32
        %get3A_266 = arith.index_cast %add3A_265 : i32 to index
        %get3A_267 = arith.constant 32 : index
        %get3A_268 = tpu.vector_load %arg7[%get3A_266, %get3A_267] {strides = array<i32>} : memref<128x256xf32, #tpu.memory_space<vmem>>, vector<1x16xf32>,
        %get3A_269 = vector.shape_cast %get3A_268 : vector<1x16xf32> to vector<16xf32>
        %add3A_270 = arith.addf %get3A_261, %get3A_269 : vector<16xf32>
        %mul3A_271 = arith.constant 8 : i32
        %mul3A_272 = arith.muli %scan3A_98, %mul3A_271 : i32
        %add3A_273 = arith.constant 2 : i32
        %add3A_274 = arith.addi %mul3A_272, %add3A_273 : i32
        %get3A_275 = arith.index_cast %add3A_274 : i32 to index
        %get3A_276 = arith.constant 32 : index
        %get3A_277 = tpu.vector_load %arg7[%get3A_275, %get3A_276] {strides = array<i32>} : memref<128x256xf32, #tpu.memory_space<vmem>>, vector<1x16xf32>,
        %get3A_278 = vector.shape_cast %get3A_277 : vector<1x16xf32> to vector<16xf32>
        %add3A_279 = arith.addf %add3A_270, %get3A_278 : vector<16xf32>
        %mul3A_280 = arith.constant 8 : i32
        %mul3A_281 = arith.muli %scan3A_98, %mul3A_280 : i32
        %add3A_282 = arith.constant 3 : i32
        %add3A_283 = arith.addi %mul3A_281, %add3A_282 : i32
        %get3A_284 = arith.index_cast %add3A_283 : i32 to index
        %get3A_285 = arith.constant 32 : index
        %get3A_286 = tpu.vector_load %arg7[%get3A_284, %get3A_285] {strides = array<i32>} : memref<128x256xf32, #tpu.memory_space<vmem>>, vector<1x16xf32>,
        %get3A_287 = vector.shape_cast %get3A_286 : vector<1x16xf32> to vector<16xf32>
        %add3A_288 = arith.addf %add3A_279, %get3A_287 : vector<16xf32>
        %mul3A_289 = arith.constant 8 : i32
        %mul3A_290 = arith.muli %scan3A_98, %mul3A_289 : i32
        %add3A_291 = arith.constant 4 : i32
        %add3A_292 = arith.addi %mul3A_290, %add3A_291 : i32
        %get3A_293 = arith.index_cast %add3A_292 : i32 to index
        %get3A_294 = arith.constant 32 : index
        %get3A_295 = tpu.vector_load %arg7[%get3A_293, %get3A_294] {strides = array<i32>} : memref<128x256xf32, #tpu.memory_space<vmem>>, vector<1x16xf32>,
        %get3A_296 = vector.shape_cast %get3A_295 : vector<1x16xf32> to vector<16xf32>
        %add3A_297 = arith.addf %add3A_288, %get3A_296 : vector<16xf32>
        %mul3A_298 = arith.constant 8 : i32
        %mul3A_299 = arith.muli %scan3A_98, %mul3A_298 : i32
        %add3A_300 = arith.constant 5 : i32
        %add3A_301 = arith.addi %mul3A_299, %add3A_300 : i32
        %get3A_302 = arith.index_cast %add3A_301 : i32 to index
        %get3A_303 = arith.constant 32 : index
        %get3A_304 = tpu.vector_load %arg7[%get3A_302, %get3A_303] {strides = array<i32>} : memref<128x256xf32, #tpu.memory_space<vmem>>, vector<1x16xf32>,
        %get3A_305 = vector.shape_cast %get3A_304 : vector<1x16xf32> to vector<16xf32>
        %add3A_306 = arith.addf %add3A_297, %get3A_305 : vector<16xf32>
        %mul3A_307 = arith.constant 8 : i32
        %mul3A_308 = arith.muli %scan3A_98, %mul3A_307 : i32
        %add3A_309 = arith.constant 6 : i32
        %add3A_310 = arith.addi %mul3A_308, %add3A_309 : i32
        %get3A_311 = arith.index_cast %add3A_310 : i32 to index
        %get3A_312 = arith.constant 32 : index
        %get3A_313 = tpu.vector_load %arg7[%get3A_311, %get3A_312] {strides = array<i32>} : memref<128x256xf32, #tpu.memory_space<vmem>>, vector<1x16xf32>,
        %get3A_314 = vector.shape_cast %get3A_313 : vector<1x16xf32> to vector<16xf32>
        %add3A_315 = arith.addf %add3A_306, %get3A_314 : vector<16xf32>
        %mul3A_316 = arith.constant 8 : i32
        %mul3A_317 = arith.muli %scan3A_98, %mul3A_316 : i32
        %add3A_318 = arith.constant 7 : i32
        %add3A_319 = arith.addi %mul3A_317, %add3A_318 : i32
        %get3A_320 = arith.index_cast %add3A_319 : i32 to index
        %get3A_321 = arith.constant 32 : index
        %get3A_322 = tpu.vector_load %arg7[%get3A_320, %get3A_321] {strides = array<i32>} : memref<128x256xf32, #tpu.memory_space<vmem>>, vector<1x16xf32>,
        %get3A_323 = vector.shape_cast %get3A_322 : vector<1x16xf32> to vector<16xf32>
        %add3A_324 = arith.addf %add3A_315, %get3A_323 : vector<16xf32>
        %mul3A_325 = arith.mulf %add3A_324, %select_n3A : vector<16xf32>
        %swap3A_326 = arith.index_cast %scan3A_98 : i32 to index
        %swap3A_327 = arith.constant 32 : index
        %swap3A_328 = tpu.vector_load %arg8[%swap3A_326, %swap3A_327] {strides = array<i32>} : memref<16x256xf32, #tpu.memory_space<vmem>>, vector<1x16xf32>,
        %swap3A_329 = vector.shape_cast %swap3A_328 : vector<1x16xf32> to vector<16xf32>
        %swap3A_330 = vector.shape_cast %mul3A_325 : vector<16xf32> to vector<1x16xf32>
        tpu.vector_store %arg8[%swap3A_326, %swap3A_327], %swap3A_330 {strides = array<i32>} : memref<16x256xf32, #tpu.memory_space<vmem>>, vector<1x16xf32>,
        %mul3A_331 = arith.constant 8 : i32
        %mul3A_332 = arith.muli %scan3A_98, %mul3A_331 : i32
        %get3A_333 = arith.index_cast %mul3A_332 : i32 to index
        %get3A_334 = arith.constant 48 : index
        %get3A_335 = tpu.vector_load %arg7[%get3A_333, %get3A_334] {strides = array<i32>} : memref<128x256xf32, #tpu.memory_space<vmem>>, vector<1x16xf32>,
        %get3A_336 = vector.shape_cast %get3A_335 : vector<1x16xf32> to vector<16xf32>
        %mul3A_337 = arith.constant 8 : i32
        %mul3A_338 = arith.muli %scan3A_98, %mul3A_337 : i32
        %add3A_339 = arith.constant 1 : i32
        %add3A_340 = arith.addi %mul3A_338, %add3A_339 : i32
        %get3A_341 = arith.index_cast %add3A_340 : i32 to index
        %get3A_342 = arith.constant 48 : index
        %get3A_343 = tpu.vector_load %arg7[%get3A_341, %get3A_342] {strides = array<i32>} : memref<128x256xf32, #tpu.memory_space<vmem>>, vector<1x16xf32>,
        %get3A_344 = vector.shape_cast %get3A_343 : vector<1x16xf32> to vector<16xf32>
        %add3A_345 = arith.addf %get3A_336, %get3A_344 : vector<16xf32>
        %mul3A_346 = arith.constant 8 : i32
        %mul3A_347 = arith.muli %scan3A_98, %mul3A_346 : i32
        %add3A_348 = arith.constant 2 : i32
        %add3A_349 = arith.addi %mul3A_347, %add3A_348 : i32
        %get3A_350 = arith.index_cast %add3A_349 : i32 to index
        %get3A_351 = arith.constant 48 : index
        %get3A_352 = tpu.vector_load %arg7[%get3A_350, %get3A_351] {strides = array<i32>} : memref<128x256xf32, #tpu.memory_space<vmem>>, vector<1x16xf32>,
        %get3A_353 = vector.shape_cast %get3A_352 : vector<1x16xf32> to vector<16xf32>
        %add3A_354 = arith.addf %add3A_345, %get3A_353 : vector<16xf32>
        %mul3A_355 = arith.constant 8 : i32
        %mul3A_356 = arith.muli %scan3A_98, %mul3A_355 : i32
        %add3A_357 = arith.constant 3 : i32
        %add3A_358 = arith.addi %mul3A_356, %add3A_357 : i32
        %get3A_359 = arith.index_cast %add3A_358 : i32 to index
        %get3A_360 = arith.constant 48 : index
        %get3A_361 = tpu.vector_load %arg7[%get3A_359, %get3A_360] {strides = array<i32>} : memref<128x256xf32, #tpu.memory_space<vmem>>, vector<1x16xf32>,
        %get3A_362 = vector.shape_cast %get3A_361 : vector<1x16xf32> to vector<16xf32>
        %add3A_363 = arith.addf %add3A_354, %get3A_362 : vector<16xf32>
        %mul3A_364 = arith.constant 8 : i32
        %mul3A_365 = arith.muli %scan3A_98, %mul3A_364 : i32
        %add3A_366 = arith.constant 4 : i32
        %add3A_367 = arith.addi %mul3A_365, %add3A_366 : i32
        %get3A_368 = arith.index_cast %add3A_367 : i32 to index
        %get3A_369 = arith.constant 48 : index
        %get3A_370 = tpu.vector_load %arg7[%get3A_368, %get3A_369] {strides = array<i32>} : memref<128x256xf32, #tpu.memory_space<vmem>>, vector<1x16xf32>,
        %get3A_371 = vector.shape_cast %get3A_370 : vector<1x16xf32> to vector<16xf32>
        %add3A_372 = arith.addf %add3A_363, %get3A_371 : vector<16xf32>
        %mul3A_373 = arith.constant 8 : i32
        %mul3A_374 = arith.muli %scan3A_98, %mul3A_373 : i32
        %add3A_375 = arith.constant 5 : i32
        %add3A_376 = arith.addi %mul3A_374, %add3A_375 : i32
        %get3A_377 = arith.index_cast %add3A_376 : i32 to index
        %get3A_378 = arith.constant 48 : index
        %get3A_379 = tpu.vector_load %arg7[%get3A_377, %get3A_378] {strides = array<i32>} : memref<128x256xf32, #tpu.memory_space<vmem>>, vector<1x16xf32>,
        %get3A_380 = vector.shape_cast %get3A_379 : vector<1x16xf32> to vector<16xf32>
        %add3A_381 = arith.addf %add3A_372, %get3A_380 : vector<16xf32>
        %mul3A_382 = arith.constant 8 : i32
        %mul3A_383 = arith.muli %scan3A_98, %mul3A_382 : i32
        %add3A_384 = arith.constant 6 : i32
        %add3A_385 = arith.addi %mul3A_383, %add3A_384 : i32
        %get3A_386 = arith.index_cast %add3A_385 : i32 to index
        %get3A_387 = arith.constant 48 : index
        %get3A_388 = tpu.vector_load %arg7[%get3A_386, %get3A_387] {strides = array<i32>} : memref<128x256xf32, #tpu.memory_space<vmem>>, vector<1x16xf32>,
        %get3A_389 = vector.shape_cast %get3A_388 : vector<1x16xf32> to vector<16xf32>
        %add3A_390 = arith.addf %add3A_381, %get3A_389 : vector<16xf32>
        %mul3A_391 = arith.constant 8 : i32
        %mul3A_392 = arith.muli %scan3A_98, %mul3A_391 : i32
        %add3A_393 = arith.constant 7 : i32
        %add3A_394 = arith.addi %mul3A_392, %add3A_393 : i32
        %get3A_395 = arith.index_cast %add3A_394 : i32 to index
        %get3A_396 = arith.constant 48 : index
        %get3A_397 = tpu.vector_load %arg7[%get3A_395, %get3A_396] {strides = array<i32>} : memref<128x256xf32, #tpu.memory_space<vmem>>, vector<1x16xf32>,
        %get3A_398 = vector.shape_cast %get3A_397 : vector<1x16xf32> to vector<16xf32>
        %add3A_399 = arith.addf %add3A_390, %get3A_398 : vector<16xf32>
        %mul3A_400 = arith.mulf %add3A_399, %select_n3A : vector<16xf32>
        %swap3A_401 = arith.index_cast %scan3A_98 : i32 to index
        %swap3A_402 = arith.constant 48 : index
        %swap3A_403 = tpu.vector_load %arg8[%swap3A_401, %swap3A_402] {strides = array<i32>} : memref<16x256xf32, #tpu.memory_space<vmem>>, vector<1x16xf32>,
        %swap3A_404 = vector.shape_cast %swap3A_403 : vector<1x16xf32> to vector<16xf32>
        %swap3A_405 = vector.shape_cast %mul3A_400 : vector<16xf32> to vector<1x16xf32>
        tpu.vector_store %arg8[%swap3A_401, %swap3A_402], %swap3A_405 {strides = array<i32>} : memref<16x256xf32, #tpu.memory_space<vmem>>, vector<1x16xf32>,
        %mul3A_406 = arith.constant 8 : i32
        %mul3A_407 = arith.muli %scan3A_98, %mul3A_406 : i32
        %get3A_408 = arith.index_cast %mul3A_407 : i32 to index
        %get3A_409 = arith.constant 64 : index
        %get3A_410 = tpu.vector_load %arg7[%get3A_408, %get3A_409] {strides = array<i32>} : memref<128x256xf32, #tpu.memory_space<vmem>>, vector<1x16xf32>,
        %get3A_411 = vector.shape_cast %get3A_410 : vector<1x16xf32> to vector<16xf32>
        %mul3A_412 = arith.constant 8 : i32
        %mul3A_413 = arith.muli %scan3A_98, %mul3A_412 : i32
        %add3A_414 = arith.constant 1 : i32
        %add3A_415 = arith.addi %mul3A_413, %add3A_414 : i32
        %get3A_416 = arith.index_cast %add3A_415 : i32 to index
        %get3A_417 = arith.constant 64 : index
        %get3A_418 = tpu.vector_load %arg7[%get3A_416, %get3A_417] {strides = array<i32>} : memref<128x256xf32, #tpu.memory_space<vmem>>, vector<1x16xf32>,
        %get3A_419 = vector.shape_cast %get3A_418 : vector<1x16xf32> to vector<16xf32>
        %add3A_420 = arith.addf %get3A_411, %get3A_419 : vector<16xf32>
        %mul3A_421 = arith.constant 8 : i32
        %mul3A_422 = arith.muli %scan3A_98, %mul3A_421 : i32
        %add3A_423 = arith.constant 2 : i32
        %add3A_424 = arith.addi %mul3A_422, %add3A_423 : i32
        %get3A_425 = arith.index_cast %add3A_424 : i32 to index
        %get3A_426 = arith.constant 64 : index
        %get3A_427 = tpu.vector_load %arg7[%get3A_425, %get3A_426] {strides = array<i32>} : memref<128x256xf32, #tpu.memory_space<vmem>>, vector<1x16xf32>,
        %get3A_428 = vector.shape_cast %get3A_427 : vector<1x16xf32> to vector<16xf32>
        %add3A_429 = arith.addf %add3A_420, %get3A_428 : vector<16xf32>
        %mul3A_430 = arith.constant 8 : i32
        %mul3A_431 = arith.muli %scan3A_98, %mul3A_430 : i32
        %add3A_432 = arith.constant 3 : i32
        %add3A_433 = arith.addi %mul3A_431, %add3A_432 : i32
        %get3A_434 = arith.index_cast %add3A_433 : i32 to index
        %get3A_435 = arith.constant 64 : index
        %get3A_436 = tpu.vector_load %arg7[%get3A_434, %get3A_435] {strides = array<i32>} : memref<128x256xf32, #tpu.memory_space<vmem>>, vector<1x16xf32>,
        %get3A_437 = vector.shape_cast %get3A_436 : vector<1x16xf32> to vector<16xf32>
        %add3A_438 = arith.addf %add3A_429, %get3A_437 : vector<16xf32>
        %mul3A_439 = arith.constant 8 : i32
        %mul3A_440 = arith.muli %scan3A_98, %mul3A_439 : i32
        %add3A_441 = arith.constant 4 : i32
        %add3A_442 = arith.addi %mul3A_440, %add3A_441 : i32
        %get3A_443 = arith.index_cast %add3A_442 : i32 to index
        %get3A_444 = arith.constant 64 : index
        %get3A_445 = tpu.vector_load %arg7[%get3A_443, %get3A_444] {strides = array<i32>} : memref<128x256xf32, #tpu.memory_space<vmem>>, vector<1x16xf32>,
        %get3A_446 = vector.shape_cast %get3A_445 : vector<1x16xf32> to vector<16xf32>
        %add3A_447 = arith.addf %add3A_438, %get3A_446 : vector<16xf32>
        %mul3A_448 = arith.constant 8 : i32
        %mul3A_449 = arith.muli %scan3A_98, %mul3A_448 : i32
        %add3A_450 = arith.constant 5 : i32
        %add3A_451 = arith.addi %mul3A_449, %add3A_450 : i32
        %get3A_452 = arith.index_cast %add3A_451 : i32 to index
        %get3A_453 = arith.constant 64 : index
        %get3A_454 = tpu.vector_load %arg7[%get3A_452, %get3A_453] {strides = array<i32>} : memref<128x256xf32, #tpu.memory_space<vmem>>, vector<1x16xf32>,
        %get3A_455 = vector.shape_cast %get3A_454 : vector<1x16xf32> to vector<16xf32>
        %add3A_456 = arith.addf %add3A_447, %get3A_455 : vector<16xf32>
        %mul3A_457 = arith.constant 8 : i32
        %mul3A_458 = arith.muli %scan3A_98, %mul3A_457 : i32
        %add3A_459 = arith.constant 6 : i32
        %add3A_460 = arith.addi %mul3A_458, %add3A_459 : i32
        %get3A_461 = arith.index_cast %add3A_460 : i32 to index
        %get3A_462 = arith.constant 64 : index
        %get3A_463 = tpu.vector_load %arg7[%get3A_461, %get3A_462] {strides = array<i32>} : memref<128x256xf32, #tpu.memory_space<vmem>>, vector<1x16xf32>,
        %get3A_464 = vector.shape_cast %get3A_463 : vector<1x16xf32> to vector<16xf32>
        %add3A_465 = arith.addf %add3A_456, %get3A_464 : vector<16xf32>
        %mul3A_466 = arith.constant 8 : i32
        %mul3A_467 = arith.muli %scan3A_98, %mul3A_466 : i32
        %add3A_468 = arith.constant 7 : i32
        %add3A_469 = arith.addi %mul3A_467, %add3A_468 : i32
        %get3A_470 = arith.index_cast %add3A_469 : i32 to index
        %get3A_471 = arith.constant 64 : index
        %get3A_472 = tpu.vector_load %arg7[%get3A_470, %get3A_471] {strides = array<i32>} : memref<128x256xf32, #tpu.memory_space<vmem>>, vector<1x16xf32>,
        %get3A_473 = vector.shape_cast %get3A_472 : vector<1x16xf32> to vector<16xf32>
        %add3A_474 = arith.addf %add3A_465, %get3A_473 : vector<16xf32>
        %mul3A_475 = arith.mulf %add3A_474, %select_n3A : vector<16xf32>
        %swap3A_476 = arith.index_cast %scan3A_98 : i32 to index
        %swap3A_477 = arith.constant 64 : index
        %swap3A_478 = tpu.vector_load %arg8[%swap3A_476, %swap3A_477] {strides = array<i32>} : memref<16x256xf32, #tpu.memory_space<vmem>>, vector<1x16xf32>,
        %swap3A_479 = vector.shape_cast %swap3A_478 : vector<1x16xf32> to vector<16xf32>
        %swap3A_480 = vector.shape_cast %mul3A_475 : vector<16xf32> to vector<1x16xf32>
        tpu.vector_store %arg8[%swap3A_476, %swap3A_477], %swap3A_480 {strides = array<i32>} : memref<16x256xf32, #tpu.memory_space<vmem>>, vector<1x16xf32>,
        %mul3A_481 = arith.constant 8 : i32
        %mul3A_482 = arith.muli %scan3A_98, %mul3A_481 : i32
        %get3A_483 = arith.index_cast %mul3A_482 : i32 to index
        %get3A_484 = arith.constant 80 : index
        %get3A_485 = tpu.vector_load %arg7[%get3A_483, %get3A_484] {strides = array<i32>} : memref<128x256xf32, #tpu.memory_space<vmem>>, vector<1x16xf32>,
        %get3A_486 = vector.shape_cast %get3A_485 : vector<1x16xf32> to vector<16xf32>
        %mul3A_487 = arith.constant 8 : i32
        %mul3A_488 = arith.muli %scan3A_98, %mul3A_487 : i32
        %add3A_489 = arith.constant 1 : i32
        %add3A_490 = arith.addi %mul3A_488, %add3A_489 : i32
        %get3A_491 = arith.index_cast %add3A_490 : i32 to index
        %get3A_492 = arith.constant 80 : index
        %get3A_493 = tpu.vector_load %arg7[%get3A_491, %get3A_492] {strides = array<i32>} : memref<128x256xf32, #tpu.memory_space<vmem>>, vector<1x16xf32>,
        %get3A_494 = vector.shape_cast %get3A_493 : vector<1x16xf32> to vector<16xf32>
        %add3A_495 = arith.addf %get3A_486, %get3A_494 : vector<16xf32>
        %mul3A_496 = arith.constant 8 : i32
        %mul3A_497 = arith.muli %scan3A_98, %mul3A_496 : i32
        %add3A_498 = arith.constant 2 : i32
        %add3A_499 = arith.addi %mul3A_497, %add3A_498 : i32
        %get3A_500 = arith.index_cast %add3A_499 : i32 to index
        %get3A_501 = arith.constant 80 : index
        %get3A_502 = tpu.vector_load %arg7[%get3A_500, %get3A_501] {strides = array<i32>} : memref<128x256xf32, #tpu.memory_space<vmem>>, vector<1x16xf32>,
        %get3A_503 = vector.shape_cast %get3A_502 : vector<1x16xf32> to vector<16xf32>
        %add3A_504 = arith.addf %add3A_495, %get3A_503 : vector<16xf32>
        %mul3A_505 = arith.constant 8 : i32
        %mul3A_506 = arith.muli %scan3A_98, %mul3A_505 : i32
        %add3A_507 = arith.constant 3 : i32
        %add3A_508 = arith.addi %mul3A_506, %add3A_507 : i32
        %get3A_509 = arith.index_cast %add3A_508 : i32 to index
        %get3A_510 = arith.constant 80 : index
        %get3A_511 = tpu.vector_load %arg7[%get3A_509, %get3A_510] {strides = array<i32>} : memref<128x256xf32, #tpu.memory_space<vmem>>, vector<1x16xf32>,
        %get3A_512 = vector.shape_cast %get3A_511 : vector<1x16xf32> to vector<16xf32>
        %add3A_513 = arith.addf %add3A_504, %get3A_512 : vector<16xf32>
        %mul3A_514 = arith.constant 8 : i32
        %mul3A_515 = arith.muli %scan3A_98, %mul3A_514 : i32
        %add3A_516 = arith.constant 4 : i32
        %add3A_517 = arith.addi %mul3A_515, %add3A_516 : i32
        %get3A_518 = arith.index_cast %add3A_517 : i32 to index
        %get3A_519 = arith.constant 80 : index
        %get3A_520 = tpu.vector_load %arg7[%get3A_518, %get3A_519] {strides = array<i32>} : memref<128x256xf32, #tpu.memory_space<vmem>>, vector<1x16xf32>,
        %get3A_521 = vector.shape_cast %get3A_520 : vector<1x16xf32> to vector<16xf32>
        %add3A_522 = arith.addf %add3A_513, %get3A_521 : vector<16xf32>
        %mul3A_523 = arith.constant 8 : i32
        %mul3A_524 = arith.muli %scan3A_98, %mul3A_523 : i32
        %add3A_525 = arith.constant 5 : i32
        %add3A_526 = arith.addi %mul3A_524, %add3A_525 : i32
        %get3A_527 = arith.index_cast %add3A_526 : i32 to index
        %get3A_528 = arith.constant 80 : index
        %get3A_529 = tpu.vector_load %arg7[%get3A_527, %get3A_528] {strides = array<i32>} : memref<128x256xf32, #tpu.memory_space<vmem>>, vector<1x16xf32>,
        %get3A_530 = vector.shape_cast %get3A_529 : vector<1x16xf32> to vector<16xf32>
        %add3A_531 = arith.addf %add3A_522, %get3A_530 : vector<16xf32>
        %mul3A_532 = arith.constant 8 : i32
        %mul3A_533 = arith.muli %scan3A_98, %mul3A_532 : i32
        %add3A_534 = arith.constant 6 : i32
        %add3A_535 = arith.addi %mul3A_533, %add3A_534 : i32
        %get3A_536 = arith.index_cast %add3A_535 : i32 to index
        %get3A_537 = arith.constant 80 : index
        %get3A_538 = tpu.vector_load %arg7[%get3A_536, %get3A_537] {strides = array<i32>} : memref<128x256xf32, #tpu.memory_space<vmem>>, vector<1x16xf32>,
        %get3A_539 = vector.shape_cast %get3A_538 : vector<1x16xf32> to vector<16xf32>
        %add3A_540 = arith.addf %add3A_531, %get3A_539 : vector<16xf32>
        %mul3A_541 = arith.constant 8 : i32
        %mul3A_542 = arith.muli %scan3A_98, %mul3A_541 : i32
        %add3A_543 = arith.constant 7 : i32
        %add3A_544 = arith.addi %mul3A_542, %add3A_543 : i32
        %get3A_545 = arith.index_cast %add3A_544 : i32 to index
        %get3A_546 = arith.constant 80 : index
        %get3A_547 = tpu.vector_load %arg7[%get3A_545, %get3A_546] {strides = array<i32>} : memref<128x256xf32, #tpu.memory_space<vmem>>, vector<1x16xf32>,
        %get3A_548 = vector.shape_cast %get3A_547 : vector<1x16xf32> to vector<16xf32>
        %add3A_549 = arith.addf %add3A_540, %get3A_548 : vector<16xf32>
        %mul3A_550 = arith.mulf %add3A_549, %select_n3A : vector<16xf32>
        %swap3A_551 = arith.index_cast %scan3A_98 : i32 to index
        %swap3A_552 = arith.constant 80 : index
        %swap3A_553 = tpu.vector_load %arg8[%swap3A_551, %swap3A_552] {strides = array<i32>} : memref<16x256xf32, #tpu.memory_space<vmem>>, vector<1x16xf32>,
        %swap3A_554 = vector.shape_cast %swap3A_553 : vector<1x16xf32> to vector<16xf32>
        %swap3A_555 = vector.shape_cast %mul3A_550 : vector<16xf32> to vector<1x16xf32>
        tpu.vector_store %arg8[%swap3A_551, %swap3A_552], %swap3A_555 {strides = array<i32>} : memref<16x256xf32, #tpu.memory_space<vmem>>, vector<1x16xf32>,
        %mul3A_556 = arith.constant 8 : i32
        %mul3A_557 = arith.muli %scan3A_98, %mul3A_556 : i32
        %get3A_558 = arith.index_cast %mul3A_557 : i32 to index
        %get3A_559 = arith.constant 96 : index
        %get3A_560 = tpu.vector_load %arg7[%get3A_558, %get3A_559] {strides = array<i32>} : memref<128x256xf32, #tpu.memory_space<vmem>>, vector<1x16xf32>,
        %get3A_561 = vector.shape_cast %get3A_560 : vector<1x16xf32> to vector<16xf32>
        %mul3A_562 = arith.constant 8 : i32
        %mul3A_563 = arith.muli %scan3A_98, %mul3A_562 : i32
        %add3A_564 = arith.constant 1 : i32
        %add3A_565 = arith.addi %mul3A_563, %add3A_564 : i32
        %get3A_566 = arith.index_cast %add3A_565 : i32 to index
        %get3A_567 = arith.constant 96 : index
        %get3A_568 = tpu.vector_load %arg7[%get3A_566, %get3A_567] {strides = array<i32>} : memref<128x256xf32, #tpu.memory_space<vmem>>, vector<1x16xf32>,
        %get3A_569 = vector.shape_cast %get3A_568 : vector<1x16xf32> to vector<16xf32>
        %add3A_570 = arith.addf %get3A_561, %get3A_569 : vector<16xf32>
        %mul3A_571 = arith.constant 8 : i32
        %mul3A_572 = arith.muli %scan3A_98, %mul3A_571 : i32
        %add3A_573 = arith.constant 2 : i32
        %add3A_574 = arith.addi %mul3A_572, %add3A_573 : i32
        %get3A_575 = arith.index_cast %add3A_574 : i32 to index
        %get3A_576 = arith.constant 96 : index
        %get3A_577 = tpu.vector_load %arg7[%get3A_575, %get3A_576] {strides = array<i32>} : memref<128x256xf32, #tpu.memory_space<vmem>>, vector<1x16xf32>,
        %get3A_578 = vector.shape_cast %get3A_577 : vector<1x16xf32> to vector<16xf32>
        %add3A_579 = arith.addf %add3A_570, %get3A_578 : vector<16xf32>
        %mul3A_580 = arith.constant 8 : i32
        %mul3A_581 = arith.muli %scan3A_98, %mul3A_580 : i32
        %add3A_582 = arith.constant 3 : i32
        %add3A_583 = arith.addi %mul3A_581, %add3A_582 : i32
        %get3A_584 = arith.index_cast %add3A_583 : i32 to index
        %get3A_585 = arith.constant 96 : index
        %get3A_586 = tpu.vector_load %arg7[%get3A_584, %get3A_585] {strides = array<i32>} : memref<128x256xf32, #tpu.memory_space<vmem>>, vector<1x16xf32>,
        %get3A_587 = vector.shape_cast %get3A_586 : vector<1x16xf32> to vector<16xf32>
        %add3A_588 = arith.addf %add3A_579, %get3A_587 : vector<16xf32>
        %mul3A_589 = arith.constant 8 : i32
        %mul3A_590 = arith.muli %scan3A_98, %mul3A_589 : i32
        %add3A_591 = arith.constant 4 : i32
        %add3A_592 = arith.addi %mul3A_590, %add3A_591 : i32
        %get3A_593 = arith.index_cast %add3A_592 : i32 to index
        %get3A_594 = arith.constant 96 : index
        %get3A_595 = tpu.vector_load %arg7[%get3A_593, %get3A_594] {strides = array<i32>} : memref<128x256xf32, #tpu.memory_space<vmem>>, vector<1x16xf32>,
        %get3A_596 = vector.shape_cast %get3A_595 : vector<1x16xf32> to vector<16xf32>
        %add3A_597 = arith.addf %add3A_588, %get3A_596 : vector<16xf32>
        %mul3A_598 = arith.constant 8 : i32
        %mul3A_599 = arith.muli %scan3A_98, %mul3A_598 : i32
        %add3A_600 = arith.constant 5 : i32
        %add3A_601 = arith.addi %mul3A_599, %add3A_600 : i32
        %get3A_602 = arith.index_cast %add3A_601 : i32 to index
        %get3A_603 = arith.constant 96 : index
        %get3A_604 = tpu.vector_load %arg7[%get3A_602, %get3A_603] {strides = array<i32>} : memref<128x256xf32, #tpu.memory_space<vmem>>, vector<1x16xf32>,
        %get3A_605 = vector.shape_cast %get3A_604 : vector<1x16xf32> to vector<16xf32>
        %add3A_606 = arith.addf %add3A_597, %get3A_605 : vector<16xf32>
        %mul3A_607 = arith.constant 8 : i32
        %mul3A_608 = arith.muli %scan3A_98, %mul3A_607 : i32
        %add3A_609 = arith.constant 6 : i32
        %add3A_610 = arith.addi %mul3A_608, %add3A_609 : i32
        %get3A_611 = arith.index_cast %add3A_610 : i32 to index
        %get3A_612 = arith.constant 96 : index
        %get3A_613 = tpu.vector_load %arg7[%get3A_611, %get3A_612] {strides = array<i32>} : memref<128x256xf32, #tpu.memory_space<vmem>>, vector<1x16xf32>,
        %get3A_614 = vector.shape_cast %get3A_613 : vector<1x16xf32> to vector<16xf32>
        %add3A_615 = arith.addf %add3A_606, %get3A_614 : vector<16xf32>
        %mul3A_616 = arith.constant 8 : i32
        %mul3A_617 = arith.muli %scan3A_98, %mul3A_616 : i32
        %add3A_618 = arith.constant 7 : i32
        %add3A_619 = arith.addi %mul3A_617, %add3A_618 : i32
        %get3A_620 = arith.index_cast %add3A_619 : i32 to index
        %get3A_621 = arith.constant 96 : index
        %get3A_622 = tpu.vector_load %arg7[%get3A_620, %get3A_621] {strides = array<i32>} : memref<128x256xf32, #tpu.memory_space<vmem>>, vector<1x16xf32>,
        %get3A_623 = vector.shape_cast %get3A_622 : vector<1x16xf32> to vector<16xf32>
        %add3A_624 = arith.addf %add3A_615, %get3A_623 : vector<16xf32>
        %mul3A_625 = arith.mulf %add3A_624, %select_n3A : vector<16xf32>
        %swap3A_626 = arith.index_cast %scan3A_98 : i32 to index
        %swap3A_627 = arith.constant 96 : index
        %swap3A_628 = tpu.vector_load %arg8[%swap3A_626, %swap3A_627] {strides = array<i32>} : memref<16x256xf32, #tpu.memory_space<vmem>>, vector<1x16xf32>,
        %swap3A_629 = vector.shape_cast %swap3A_628 : vector<1x16xf32> to vector<16xf32>
        %swap3A_630 = vector.shape_cast %mul3A_625 : vector<16xf32> to vector<1x16xf32>
        tpu.vector_store %arg8[%swap3A_626, %swap3A_627], %swap3A_630 {strides = array<i32>} : memref<16x256xf32, #tpu.memory_space<vmem>>, vector<1x16xf32>,
        %mul3A_631 = arith.constant 8 : i32
        %mul3A_632 = arith.muli %scan3A_98, %mul3A_631 : i32
        %get3A_633 = arith.index_cast %mul3A_632 : i32 to index
        %get3A_634 = arith.constant 112 : index
        %get3A_635 = tpu.vector_load %arg7[%get3A_633, %get3A_634] {strides = array<i32>} : memref<128x256xf32, #tpu.memory_space<vmem>>, vector<1x16xf32>,
        %get3A_636 = vector.shape_cast %get3A_635 : vector<1x16xf32> to vector<16xf32>
        %mul3A_637 = arith.constant 8 : i32
        %mul3A_638 = arith.muli %scan3A_98, %mul3A_637 : i32
        %add3A_639 = arith.constant 1 : i32
        %add3A_640 = arith.addi %mul3A_638, %add3A_639 : i32
        %get3A_641 = arith.index_cast %add3A_640 : i32 to index
        %get3A_642 = arith.constant 112 : index
        %get3A_643 = tpu.vector_load %arg7[%get3A_641, %get3A_642] {strides = array<i32>} : memref<128x256xf32, #tpu.memory_space<vmem>>, vector<1x16xf32>,
        %get3A_644 = vector.shape_cast %get3A_643 : vector<1x16xf32> to vector<16xf32>
        %add3A_645 = arith.addf %get3A_636, %get3A_644 : vector<16xf32>
        %mul3A_646 = arith.constant 8 : i32
        %mul3A_647 = arith.muli %scan3A_98, %mul3A_646 : i32
        %add3A_648 = arith.constant 2 : i32
        %add3A_649 = arith.addi %mul3A_647, %add3A_648 : i32
        %get3A_650 = arith.index_cast %add3A_649 : i32 to index
        %get3A_651 = arith.constant 112 : index
        %get3A_652 = tpu.vector_load %arg7[%get3A_650, %get3A_651] {strides = array<i32>} : memref<128x256xf32, #tpu.memory_space<vmem>>, vector<1x16xf32>,
        %get3A_653 = vector.shape_cast %get3A_652 : vector<1x16xf32> to vector<16xf32>
        %add3A_654 = arith.addf %add3A_645, %get3A_653 : vector<16xf32>
        %mul3A_655 = arith.constant 8 : i32
        %mul3A_656 = arith.muli %scan3A_98, %mul3A_655 : i32
        %add3A_657 = arith.constant 3 : i32
        %add3A_658 = arith.addi %mul3A_656, %add3A_657 : i32
        %get3A_659 = arith.index_cast %add3A_658 : i32 to index
        %get3A_660 = arith.constant 112 : index
        %get3A_661 = tpu.vector_load %arg7[%get3A_659, %get3A_660] {strides = array<i32>} : memref<128x256xf32, #tpu.memory_space<vmem>>, vector<1x16xf32>,
        %get3A_662 = vector.shape_cast %get3A_661 : vector<1x16xf32> to vector<16xf32>
        %add3A_663 = arith.addf %add3A_654, %get3A_662 : vector<16xf32>
        %mul3A_664 = arith.constant 8 : i32
        %mul3A_665 = arith.muli %scan3A_98, %mul3A_664 : i32
        %add3A_666 = arith.constant 4 : i32
        %add3A_667 = arith.addi %mul3A_665, %add3A_666 : i32
        %get3A_668 = arith.index_cast %add3A_667 : i32 to index
        %get3A_669 = arith.constant 112 : index
        %get3A_670 = tpu.vector_load %arg7[%get3A_668, %get3A_669] {strides = array<i32>} : memref<128x256xf32, #tpu.memory_space<vmem>>, vector<1x16xf32>,
        %get3A_671 = vector.shape_cast %get3A_670 : vector<1x16xf32> to vector<16xf32>
        %add3A_672 = arith.addf %add3A_663, %get3A_671 : vector<16xf32>
        %mul3A_673 = arith.constant 8 : i32
        %mul3A_674 = arith.muli %scan3A_98, %mul3A_673 : i32
        %add3A_675 = arith.constant 5 : i32
        %add3A_676 = arith.addi %mul3A_674, %add3A_675 : i32
        %get3A_677 = arith.index_cast %add3A_676 : i32 to index
        %get3A_678 = arith.constant 112 : index
        %get3A_679 = tpu.vector_load %arg7[%get3A_677, %get3A_678] {strides = array<i32>} : memref<128x256xf32, #tpu.memory_space<vmem>>, vector<1x16xf32>,
        %get3A_680 = vector.shape_cast %get3A_679 : vector<1x16xf32> to vector<16xf32>
        %add3A_681 = arith.addf %add3A_672, %get3A_680 : vector<16xf32>
        %mul3A_682 = arith.constant 8 : i32
        %mul3A_683 = arith.muli %scan3A_98, %mul3A_682 : i32
        %add3A_684 = arith.constant 6 : i32
        %add3A_685 = arith.addi %mul3A_683, %add3A_684 : i32
        %get3A_686 = arith.index_cast %add3A_685 : i32 to index
        %get3A_687 = arith.constant 112 : index
        %get3A_688 = tpu.vector_load %arg7[%get3A_686, %get3A_687] {strides = array<i32>} : memref<128x256xf32, #tpu.memory_space<vmem>>, vector<1x16xf32>,
        %get3A_689 = vector.shape_cast %get3A_688 : vector<1x16xf32> to vector<16xf32>
        %add3A_690 = arith.addf %add3A_681, %get3A_689 : vector<16xf32>
        %mul3A_691 = arith.constant 8 : i32
        %mul3A_692 = arith.muli %scan3A_98, %mul3A_691 : i32
        %add3A_693 = arith.constant 7 : i32
        %add3A_694 = arith.addi %mul3A_692, %add3A_693 : i32
        %get3A_695 = arith.index_cast %add3A_694 : i32 to index
        %get3A_696 = arith.constant 112 : index
        %get3A_697 = tpu.vector_load %arg7[%get3A_695, %get3A_696] {strides = array<i32>} : memref<128x256xf32, #tpu.memory_space<vmem>>, vector<1x16xf32>,
        %get3A_698 = vector.shape_cast %get3A_697 : vector<1x16xf32> to vector<16xf32>
        %add3A_699 = arith.addf %add3A_690, %get3A_698 : vector<16xf32>
        %mul3A_700 = arith.mulf %add3A_699, %select_n3A : vector<16xf32>
        %swap3A_701 = arith.index_cast %scan3A_98 : i32 to index
        %swap3A_702 = arith.constant 112 : index
        %swap3A_703 = tpu.vector_load %arg8[%swap3A_701, %swap3A_702] {strides = array<i32>} : memref<16x256xf32, #tpu.memory_space<vmem>>, vector<1x16xf32>,
        %swap3A_704 = vector.shape_cast %swap3A_703 : vector<1x16xf32> to vector<16xf32>
        %swap3A_705 = vector.shape_cast %mul3A_700 : vector<16xf32> to vector<1x16xf32>
        tpu.vector_store %arg8[%swap3A_701, %swap3A_702], %swap3A_705 {strides = array<i32>} : memref<16x256xf32, #tpu.memory_space<vmem>>, vector<1x16xf32>,
        %mul3A_706 = arith.constant 8 : i32
        %mul3A_707 = arith.muli %scan3A_98, %mul3A_706 : i32
        %get3A_708 = arith.index_cast %mul3A_707 : i32 to index
        %get3A_709 = arith.constant 128 : index
        %get3A_710 = tpu.vector_load %arg7[%get3A_708, %get3A_709] {strides = array<i32>} : memref<128x256xf32, #tpu.memory_space<vmem>>, vector<1x16xf32>,
        %get3A_711 = vector.shape_cast %get3A_710 : vector<1x16xf32> to vector<16xf32>
        %mul3A_712 = arith.constant 8 : i32
        %mul3A_713 = arith.muli %scan3A_98, %mul3A_712 : i32
        %add3A_714 = arith.constant 1 : i32
        %add3A_715 = arith.addi %mul3A_713, %add3A_714 : i32
        %get3A_716 = arith.index_cast %add3A_715 : i32 to index
        %get3A_717 = arith.constant 128 : index
        %get3A_718 = tpu.vector_load %arg7[%get3A_716, %get3A_717] {strides = array<i32>} : memref<128x256xf32, #tpu.memory_space<vmem>>, vector<1x16xf32>,
        %get3A_719 = vector.shape_cast %get3A_718 : vector<1x16xf32> to vector<16xf32>
        %add3A_720 = arith.addf %get3A_711, %get3A_719 : vector<16xf32>
        %mul3A_721 = arith.constant 8 : i32
        %mul3A_722 = arith.muli %scan3A_98, %mul3A_721 : i32
        %add3A_723 = arith.constant 2 : i32
        %add3A_724 = arith.addi %mul3A_722, %add3A_723 : i32
        %get3A_725 = arith.index_cast %add3A_724 : i32 to index
        %get3A_726 = arith.constant 128 : index
        %get3A_727 = tpu.vector_load %arg7[%get3A_725, %get3A_726] {strides = array<i32>} : memref<128x256xf32, #tpu.memory_space<vmem>>, vector<1x16xf32>,
        %get3A_728 = vector.shape_cast %get3A_727 : vector<1x16xf32> to vector<16xf32>
        %add3A_729 = arith.addf %add3A_720, %get3A_728 : vector<16xf32>
        %mul3A_730 = arith.constant 8 : i32
        %mul3A_731 = arith.muli %scan3A_98, %mul3A_730 : i32
        %add3A_732 = arith.constant 3 : i32
        %add3A_733 = arith.addi %mul3A_731, %add3A_732 : i32
        %get3A_734 = arith.index_cast %add3A_733 : i32 to index
        %get3A_735 = arith.constant 128 : index
        %get3A_736 = tpu.vector_load %arg7[%get3A_734, %get3A_735] {strides = array<i32>} : memref<128x256xf32, #tpu.memory_space<vmem>>, vector<1x16xf32>,
        %get3A_737 = vector.shape_cast %get3A_736 : vector<1x16xf32> to vector<16xf32>
        %add3A_738 = arith.addf %add3A_729, %get3A_737 : vector<16xf32>
        %mul3A_739 = arith.constant 8 : i32
        %mul3A_740 = arith.muli %scan3A_98, %mul3A_739 : i32
        %add3A_741 = arith.constant 4 : i32
        %add3A_742 = arith.addi %mul3A_740, %add3A_741 : i32
        %get3A_743 = arith.index_cast %add3A_742 : i32 to index
        %get3A_744 = arith.constant 128 : index
        %get3A_745 = tpu.vector_load %arg7[%get3A_743, %get3A_744] {strides = array<i32>} : memref<128x256xf32, #tpu.memory_space<vmem>>, vector<1x16xf32>,
        %get3A_746 = vector.shape_cast %get3A_745 : vector<1x16xf32> to vector<16xf32>
        %add3A_747 = arith.addf %add3A_738, %get3A_746 : vector<16xf32>
        %mul3A_748 = arith.constant 8 : i32
        %mul3A_749 = arith.muli %scan3A_98, %mul3A_748 : i32
        %add3A_750 = arith.constant 5 : i32
        %add3A_751 = arith.addi %mul3A_749, %add3A_750 : i32
        %get3A_752 = arith.index_cast %add3A_751 : i32 to index
        %get3A_753 = arith.constant 128 : index
        %get3A_754 = tpu.vector_load %arg7[%get3A_752, %get3A_753] {strides = array<i32>} : memref<128x256xf32, #tpu.memory_space<vmem>>, vector<1x16xf32>,
        %get3A_755 = vector.shape_cast %get3A_754 : vector<1x16xf32> to vector<16xf32>
        %add3A_756 = arith.addf %add3A_747, %get3A_755 : vector<16xf32>
        %mul3A_757 = arith.constant 8 : i32
        %mul3A_758 = arith.muli %scan3A_98, %mul3A_757 : i32
        %add3A_759 = arith.constant 6 : i32
        %add3A_760 = arith.addi %mul3A_758, %add3A_759 : i32
        %get3A_761 = arith.index_cast %add3A_760 : i32 to index
        %get3A_762 = arith.constant 128 : index
        %get3A_763 = tpu.vector_load %arg7[%get3A_761, %get3A_762] {strides = array<i32>} : memref<128x256xf32, #tpu.memory_space<vmem>>, vector<1x16xf32>,
        %get3A_764 = vector.shape_cast %get3A_763 : vector<1x16xf32> to vector<16xf32>
        %add3A_765 = arith.addf %add3A_756, %get3A_764 : vector<16xf32>
        %mul3A_766 = arith.constant 8 : i32
        %mul3A_767 = arith.muli %scan3A_98, %mul3A_766 : i32
        %add3A_768 = arith.constant 7 : i32
        %add3A_769 = arith.addi %mul3A_767, %add3A_768 : i32
        %get3A_770 = arith.index_cast %add3A_769 : i32 to index
        %get3A_771 = arith.constant 128 : index
        %get3A_772 = tpu.vector_load %arg7[%get3A_770, %get3A_771] {strides = array<i32>} : memref<128x256xf32, #tpu.memory_space<vmem>>, vector<1x16xf32>,
        %get3A_773 = vector.shape_cast %get3A_772 : vector<1x16xf32> to vector<16xf32>
        %add3A_774 = arith.addf %add3A_765, %get3A_773 : vector<16xf32>
        %mul3A_775 = arith.mulf %add3A_774, %select_n3A : vector<16xf32>
        %swap3A_776 = arith.index_cast %scan3A_98 : i32 to index
        %swap3A_777 = arith.constant 128 : index
        %swap3A_778 = tpu.vector_load %arg8[%swap3A_776, %swap3A_777] {strides = array<i32>} : memref<16x256xf32, #tpu.memory_space<vmem>>, vector<1x16xf32>,
        %swap3A_779 = vector.shape_cast %swap3A_778 : vector<1x16xf32> to vector<16xf32>
        %swap3A_780 = vector.shape_cast %mul3A_775 : vector<16xf32> to vector<1x16xf32>
        tpu.vector_store %arg8[%swap3A_776, %swap3A_777], %swap3A_780 {strides = array<i32>} : memref<16x256xf32, #tpu.memory_space<vmem>>, vector<1x16xf32>,
        %mul3A_781 = arith.constant 8 : i32
        %mul3A_782 = arith.muli %scan3A_98, %mul3A_781 : i32
        %get3A_783 = arith.index_cast %mul3A_782 : i32 to index
        %get3A_784 = arith.constant 144 : index
        %get3A_785 = tpu.vector_load %arg7[%get3A_783, %get3A_784] {strides = array<i32>} : memref<128x256xf32, #tpu.memory_space<vmem>>, vector<1x16xf32>,
        %get3A_786 = vector.shape_cast %get3A_785 : vector<1x16xf32> to vector<16xf32>
        %mul3A_787 = arith.constant 8 : i32
        %mul3A_788 = arith.muli %scan3A_98, %mul3A_787 : i32
        %add3A_789 = arith.constant 1 : i32
        %add3A_790 = arith.addi %mul3A_788, %add3A_789 : i32
        %get3A_791 = arith.index_cast %add3A_790 : i32 to index
        %get3A_792 = arith.constant 144 : index
        %get3A_793 = tpu.vector_load %arg7[%get3A_791, %get3A_792] {strides = array<i32>} : memref<128x256xf32, #tpu.memory_space<vmem>>, vector<1x16xf32>,
        %get3A_794 = vector.shape_cast %get3A_793 : vector<1x16xf32> to vector<16xf32>
        %add3A_795 = arith.addf %get3A_786, %get3A_794 : vector<16xf32>
        %mul3A_796 = arith.constant 8 : i32
        %mul3A_797 = arith.muli %scan3A_98, %mul3A_796 : i32
        %add3A_798 = arith.constant 2 : i32
        %add3A_799 = arith.addi %mul3A_797, %add3A_798 : i32
        %get3A_800 = arith.index_cast %add3A_799 : i32 to index
        %get3A_801 = arith.constant 144 : index
        %get3A_802 = tpu.vector_load %arg7[%get3A_800, %get3A_801] {strides = array<i32>} : memref<128x256xf32, #tpu.memory_space<vmem>>, vector<1x16xf32>,
        %get3A_803 = vector.shape_cast %get3A_802 : vector<1x16xf32> to vector<16xf32>
        %add3A_804 = arith.addf %add3A_795, %get3A_803 : vector<16xf32>
        %mul3A_805 = arith.constant 8 : i32
        %mul3A_806 = arith.muli %scan3A_98, %mul3A_805 : i32
        %add3A_807 = arith.constant 3 : i32
        %add3A_808 = arith.addi %mul3A_806, %add3A_807 : i32
        %get3A_809 = arith.index_cast %add3A_808 : i32 to index
        %get3A_810 = arith.constant 144 : index
        %get3A_811 = tpu.vector_load %arg7[%get3A_809, %get3A_810] {strides = array<i32>} : memref<128x256xf32, #tpu.memory_space<vmem>>, vector<1x16xf32>,
        %get3A_812 = vector.shape_cast %get3A_811 : vector<1x16xf32> to vector<16xf32>
        %add3A_813 = arith.addf %add3A_804, %get3A_812 : vector<16xf32>
        %mul3A_814 = arith.constant 8 : i32
        %mul3A_815 = arith.muli %scan3A_98, %mul3A_814 : i32
        %add3A_816 = arith.constant 4 : i32
        %add3A_817 = arith.addi %mul3A_815, %add3A_816 : i32
        %get3A_818 = arith.index_cast %add3A_817 : i32 to index
        %get3A_819 = arith.constant 144 : index
        %get3A_820 = tpu.vector_load %arg7[%get3A_818, %get3A_819] {strides = array<i32>} : memref<128x256xf32, #tpu.memory_space<vmem>>, vector<1x16xf32>,
        %get3A_821 = vector.shape_cast %get3A_820 : vector<1x16xf32> to vector<16xf32>
        %add3A_822 = arith.addf %add3A_813, %get3A_821 : vector<16xf32>
        %mul3A_823 = arith.constant 8 : i32
        %mul3A_824 = arith.muli %scan3A_98, %mul3A_823 : i32
        %add3A_825 = arith.constant 5 : i32
        %add3A_826 = arith.addi %mul3A_824, %add3A_825 : i32
        %get3A_827 = arith.index_cast %add3A_826 : i32 to index
        %get3A_828 = arith.constant 144 : index
        %get3A_829 = tpu.vector_load %arg7[%get3A_827, %get3A_828] {strides = array<i32>} : memref<128x256xf32, #tpu.memory_space<vmem>>, vector<1x16xf32>,
        %get3A_830 = vector.shape_cast %get3A_829 : vector<1x16xf32> to vector<16xf32>
        %add3A_831 = arith.addf %add3A_822, %get3A_830 : vector<16xf32>
        %mul3A_832 = arith.constant 8 : i32
        %mul3A_833 = arith.muli %scan3A_98, %mul3A_832 : i32
        %add3A_834 = arith.constant 6 : i32
        %add3A_835 = arith.addi %mul3A_833, %add3A_834 : i32
        %get3A_836 = arith.index_cast %add3A_835 : i32 to index
        %get3A_837 = arith.constant 144 : index
        %get3A_838 = tpu.vector_load %arg7[%get3A_836, %get3A_837] {strides = array<i32>} : memref<128x256xf32, #tpu.memory_space<vmem>>, vector<1x16xf32>,
        %get3A_839 = vector.shape_cast %get3A_838 : vector<1x16xf32> to vector<16xf32>
        %add3A_840 = arith.addf %add3A_831, %get3A_839 : vector<16xf32>
        %mul3A_841 = arith.constant 8 : i32
        %mul3A_842 = arith.muli %scan3A_98, %mul3A_841 : i32
        %add3A_843 = arith.constant 7 : i32
        %add3A_844 = arith.addi %mul3A_842, %add3A_843 : i32
        %get3A_845 = arith.index_cast %add3A_844 : i32 to index
        %get3A_846 = arith.constant 144 : index
        %get3A_847 = tpu.vector_load %arg7[%get3A_845, %get3A_846] {strides = array<i32>} : memref<128x256xf32, #tpu.memory_space<vmem>>, vector<1x16xf32>,
        %get3A_848 = vector.shape_cast %get3A_847 : vector<1x16xf32> to vector<16xf32>
        %add3A_849 = arith.addf %add3A_840, %get3A_848 : vector<16xf32>
        %mul3A_850 = arith.mulf %add3A_849, %select_n3A : vector<16xf32>
        %swap3A_851 = arith.index_cast %scan3A_98 : i32 to index
        %swap3A_852 = arith.constant 144 : index
        %swap3A_853 = tpu.vector_load %arg8[%swap3A_851, %swap3A_852] {strides = array<i32>} : memref<16x256xf32, #tpu.memory_space<vmem>>, vector<1x16xf32>,
        %swap3A_854 = vector.shape_cast %swap3A_853 : vector<1x16xf32> to vector<16xf32>
        %swap3A_855 = vector.shape_cast %mul3A_850 : vector<16xf32> to vector<1x16xf32>
        tpu.vector_store %arg8[%swap3A_851, %swap3A_852], %swap3A_855 {strides = array<i32>} : memref<16x256xf32, #tpu.memory_space<vmem>>, vector<1x16xf32>,
        %mul3A_856 = arith.constant 8 : i32
        %mul3A_857 = arith.muli %scan3A_98, %mul3A_856 : i32
        %get3A_858 = arith.index_cast %mul3A_857 : i32 to index
        %get3A_859 = arith.constant 160 : index
        %get3A_860 = tpu.vector_load %arg7[%get3A_858, %get3A_859] {strides = array<i32>} : memref<128x256xf32, #tpu.memory_space<vmem>>, vector<1x16xf32>,
        %get3A_861 = vector.shape_cast %get3A_860 : vector<1x16xf32> to vector<16xf32>
        %mul3A_862 = arith.constant 8 : i32
        %mul3A_863 = arith.muli %scan3A_98, %mul3A_862 : i32
        %add3A_864 = arith.constant 1 : i32
        %add3A_865 = arith.addi %mul3A_863, %add3A_864 : i32
        %get3A_866 = arith.index_cast %add3A_865 : i32 to index
        %get3A_867 = arith.constant 160 : index
        %get3A_868 = tpu.vector_load %arg7[%get3A_866, %get3A_867] {strides = array<i32>} : memref<128x256xf32, #tpu.memory_space<vmem>>, vector<1x16xf32>,
        %get3A_869 = vector.shape_cast %get3A_868 : vector<1x16xf32> to vector<16xf32>
        %add3A_870 = arith.addf %get3A_861, %get3A_869 : vector<16xf32>
        %mul3A_871 = arith.constant 8 : i32
        %mul3A_872 = arith.muli %scan3A_98, %mul3A_871 : i32
        %add3A_873 = arith.constant 2 : i32
        %add3A_874 = arith.addi %mul3A_872, %add3A_873 : i32
        %get3A_875 = arith.index_cast %add3A_874 : i32 to index
        %get3A_876 = arith.constant 160 : index
        %get3A_877 = tpu.vector_load %arg7[%get3A_875, %get3A_876] {strides = array<i32>} : memref<128x256xf32, #tpu.memory_space<vmem>>, vector<1x16xf32>,
        %get3A_878 = vector.shape_cast %get3A_877 : vector<1x16xf32> to vector<16xf32>
        %add3A_879 = arith.addf %add3A_870, %get3A_878 : vector<16xf32>
        %mul3A_880 = arith.constant 8 : i32
        %mul3A_881 = arith.muli %scan3A_98, %mul3A_880 : i32
        %add3A_882 = arith.constant 3 : i32
        %add3A_883 = arith.addi %mul3A_881, %add3A_882 : i32
        %get3A_884 = arith.index_cast %add3A_883 : i32 to index
        %get3A_885 = arith.constant 160 : index
        %get3A_886 = tpu.vector_load %arg7[%get3A_884, %get3A_885] {strides = array<i32>} : memref<128x256xf32, #tpu.memory_space<vmem>>, vector<1x16xf32>,
        %get3A_887 = vector.shape_cast %get3A_886 : vector<1x16xf32> to vector<16xf32>
        %add3A_888 = arith.addf %add3A_879, %get3A_887 : vector<16xf32>
        %mul3A_889 = arith.constant 8 : i32
        %mul3A_890 = arith.muli %scan3A_98, %mul3A_889 : i32
        %add3A_891 = arith.constant 4 : i32
        %add3A_892 = arith.addi %mul3A_890, %add3A_891 : i32
        %get3A_893 = arith.index_cast %add3A_892 : i32 to index
        %get3A_894 = arith.constant 160 : index
        %get3A_895 = tpu.vector_load %arg7[%get3A_893, %get3A_894] {strides = array<i32>} : memref<128x256xf32, #tpu.memory_space<vmem>>, vector<1x16xf32>,
        %get3A_896 = vector.shape_cast %get3A_895 : vector<1x16xf32> to vector<16xf32>
        %add3A_897 = arith.addf %add3A_888, %get3A_896 : vector<16xf32>
        %mul3A_898 = arith.constant 8 : i32
        %mul3A_899 = arith.muli %scan3A_98, %mul3A_898 : i32
        %add3A_900 = arith.constant 5 : i32
        %add3A_901 = arith.addi %mul3A_899, %add3A_900 : i32
        %get3A_902 = arith.index_cast %add3A_901 : i32 to index
        %get3A_903 = arith.constant 160 : index
        %get3A_904 = tpu.vector_load %arg7[%get3A_902, %get3A_903] {strides = array<i32>} : memref<128x256xf32, #tpu.memory_space<vmem>>, vector<1x16xf32>,
        %get3A_905 = vector.shape_cast %get3A_904 : vector<1x16xf32> to vector<16xf32>
        %add3A_906 = arith.addf %add3A_897, %get3A_905 : vector<16xf32>
        %mul3A_907 = arith.constant 8 : i32
        %mul3A_908 = arith.muli %scan3A_98, %mul3A_907 : i32
        %add3A_909 = arith.constant 6 : i32
        %add3A_910 = arith.addi %mul3A_908, %add3A_909 : i32
        %get3A_911 = arith.index_cast %add3A_910 : i32 to index
        %get3A_912 = arith.constant 160 : index
        %get3A_913 = tpu.vector_load %arg7[%get3A_911, %get3A_912] {strides = array<i32>} : memref<128x256xf32, #tpu.memory_space<vmem>>, vector<1x16xf32>,
        %get3A_914 = vector.shape_cast %get3A_913 : vector<1x16xf32> to vector<16xf32>
        %add3A_915 = arith.addf %add3A_906, %get3A_914 : vector<16xf32>
        %mul3A_916 = arith.constant 8 : i32
        %mul3A_917 = arith.muli %scan3A_98, %mul3A_916 : i32
        %add3A_918 = arith.constant 7 : i32
        %add3A_919 = arith.addi %mul3A_917, %add3A_918 : i32
        %get3A_920 = arith.index_cast %add3A_919 : i32 to index
        %get3A_921 = arith.constant 160 : index
        %get3A_922 = tpu.vector_load %arg7[%get3A_920, %get3A_921] {strides = array<i32>} : memref<128x256xf32, #tpu.memory_space<vmem>>, vector<1x16xf32>,
        %get3A_923 = vector.shape_cast %get3A_922 : vector<1x16xf32> to vector<16xf32>
        %add3A_924 = arith.addf %add3A_915, %get3A_923 : vector<16xf32>
        %mul3A_925 = arith.mulf %add3A_924, %select_n3A : vector<16xf32>
        %swap3A_926 = arith.index_cast %scan3A_98 : i32 to index
        %swap3A_927 = arith.constant 160 : index
        %swap3A_928 = tpu.vector_load %arg8[%swap3A_926, %swap3A_927] {strides = array<i32>} : memref<16x256xf32, #tpu.memory_space<vmem>>, vector<1x16xf32>,
        %swap3A_929 = vector.shape_cast %swap3A_928 : vector<1x16xf32> to vector<16xf32>
        %swap3A_930 = vector.shape_cast %mul3A_925 : vector<16xf32> to vector<1x16xf32>
        tpu.vector_store %arg8[%swap3A_926, %swap3A_927], %swap3A_930 {strides = array<i32>} : memref<16x256xf32, #tpu.memory_space<vmem>>, vector<1x16xf32>,
        %mul3A_931 = arith.constant 8 : i32
        %mul3A_932 = arith.muli %scan3A_98, %mul3A_931 : i32
        %get3A_933 = arith.index_cast %mul3A_932 : i32 to index
        %get3A_934 = arith.constant 176 : index
        %get3A_935 = tpu.vector_load %arg7[%get3A_933, %get3A_934] {strides = array<i32>} : memref<128x256xf32, #tpu.memory_space<vmem>>, vector<1x16xf32>,
        %get3A_936 = vector.shape_cast %get3A_935 : vector<1x16xf32> to vector<16xf32>
        %mul3A_937 = arith.constant 8 : i32
        %mul3A_938 = arith.muli %scan3A_98, %mul3A_937 : i32
        %add3A_939 = arith.constant 1 : i32
        %add3A_940 = arith.addi %mul3A_938, %add3A_939 : i32
        %get3A_941 = arith.index_cast %add3A_940 : i32 to index
        %get3A_942 = arith.constant 176 : index
        %get3A_943 = tpu.vector_load %arg7[%get3A_941, %get3A_942] {strides = array<i32>} : memref<128x256xf32, #tpu.memory_space<vmem>>, vector<1x16xf32>,
        %get3A_944 = vector.shape_cast %get3A_943 : vector<1x16xf32> to vector<16xf32>
        %add3A_945 = arith.addf %get3A_936, %get3A_944 : vector<16xf32>
        %mul3A_946 = arith.constant 8 : i32
        %mul3A_947 = arith.muli %scan3A_98, %mul3A_946 : i32
        %add3A_948 = arith.constant 2 : i32
        %add3A_949 = arith.addi %mul3A_947, %add3A_948 : i32
        %get3A_950 = arith.index_cast %add3A_949 : i32 to index
        %get3A_951 = arith.constant 176 : index
        %get3A_952 = tpu.vector_load %arg7[%get3A_950, %get3A_951] {strides = array<i32>} : memref<128x256xf32, #tpu.memory_space<vmem>>, vector<1x16xf32>,
        %get3A_953 = vector.shape_cast %get3A_952 : vector<1x16xf32> to vector<16xf32>
        %add3A_954 = arith.addf %add3A_945, %get3A_953 : vector<16xf32>
        %mul3A_955 = arith.constant 8 : i32
        %mul3A_956 = arith.muli %scan3A_98, %mul3A_955 : i32
        %add3A_957 = arith.constant 3 : i32
        %add3A_958 = arith.addi %mul3A_956, %add3A_957 : i32
        %get3A_959 = arith.index_cast %add3A_958 : i32 to index
        %get3A_960 = arith.constant 176 : index
        %get3A_961 = tpu.vector_load %arg7[%get3A_959, %get3A_960] {strides = array<i32>} : memref<128x256xf32, #tpu.memory_space<vmem>>, vector<1x16xf32>,
        %get3A_962 = vector.shape_cast %get3A_961 : vector<1x16xf32> to vector<16xf32>
        %add3A_963 = arith.addf %add3A_954, %get3A_962 : vector<16xf32>
        %mul3A_964 = arith.constant 8 : i32
        %mul3A_965 = arith.muli %scan3A_98, %mul3A_964 : i32
        %add3A_966 = arith.constant 4 : i32
        %add3A_967 = arith.addi %mul3A_965, %add3A_966 : i32
        %get3A_968 = arith.index_cast %add3A_967 : i32 to index
        %get3A_969 = arith.constant 176 : index
        %get3A_970 = tpu.vector_load %arg7[%get3A_968, %get3A_969] {strides = array<i32>} : memref<128x256xf32, #tpu.memory_space<vmem>>, vector<1x16xf32>,
        %get3A_971 = vector.shape_cast %get3A_970 : vector<1x16xf32> to vector<16xf32>
        %add3A_972 = arith.addf %add3A_963, %get3A_971 : vector<16xf32>
        %mul3A_973 = arith.constant 8 : i32
        %mul3A_974 = arith.muli %scan3A_98, %mul3A_973 : i32
        %add3A_975 = arith.constant 5 : i32
        %add3A_976 = arith.addi %mul3A_974, %add3A_975 : i32
        %get3A_977 = arith.index_cast %add3A_976 : i32 to index
        %get3A_978 = arith.constant 176 : index
        %get3A_979 = tpu.vector_load %arg7[%get3A_977, %get3A_978] {strides = array<i32>} : memref<128x256xf32, #tpu.memory_space<vmem>>, vector<1x16xf32>,
        %get3A_980 = vector.shape_cast %get3A_979 : vector<1x16xf32> to vector<16xf32>
        %add3A_981 = arith.addf %add3A_972, %get3A_980 : vector<16xf32>
        %mul3A_982 = arith.constant 8 : i32
        %mul3A_983 = arith.muli %scan3A_98, %mul3A_982 : i32
        %add3A_984 = arith.constant 6 : i32
        %add3A_985 = arith.addi %mul3A_983, %add3A_984 : i32
        %get3A_986 = arith.index_cast %add3A_985 : i32 to index
        %get3A_987 = arith.constant 176 : index
        %get3A_988 = tpu.vector_load %arg7[%get3A_986, %get3A_987] {strides = array<i32>} : memref<128x256xf32, #tpu.memory_space<vmem>>, vector<1x16xf32>,
        %get3A_989 = vector.shape_cast %get3A_988 : vector<1x16xf32> to vector<16xf32>
        %add3A_990 = arith.addf %add3A_981, %get3A_989 : vector<16xf32>
        %mul3A_991 = arith.constant 8 : i32
        %mul3A_992 = arith.muli %scan3A_98, %mul3A_991 : i32
        %add3A_993 = arith.constant 7 : i32
        %add3A_994 = arith.addi %mul3A_992, %add3A_993 : i32
        %get3A_995 = arith.index_cast %add3A_994 : i32 to index
        %get3A_996 = arith.constant 176 : index
        %get3A_997 = tpu.vector_load %arg7[%get3A_995, %get3A_996] {strides = array<i32>} : memref<128x256xf32, #tpu.memory_space<vmem>>, vector<1x16xf32>,
        %get3A_998 = vector.shape_cast %get3A_997 : vector<1x16xf32> to vector<16xf32>
        %add3A_999 = arith.addf %add3A_990, %get3A_998 : vector<16xf32>
        %mul3A_1000 = arith.mulf %add3A_999, %select_n3A : vector<16xf32>
        %swap3A_1001 = arith.index_cast %scan3A_98 : i32 to index
        %swap3A_1002 = arith.constant 176 : index
        %swap3A_1003 = tpu.vector_load %arg8[%swap3A_1001, %swap3A_1002] {strides = array<i32>} : memref<16x256xf32, #tpu.memory_space<vmem>>, vector<1x16xf32>,
        %swap3A_1004 = vector.shape_cast %swap3A_1003 : vector<1x16xf32> to vector<16xf32>
        %swap3A_1005 = vector.shape_cast %mul3A_1000 : vector<16xf32> to vector<1x16xf32>
        tpu.vector_store %arg8[%swap3A_1001, %swap3A_1002], %swap3A_1005 {strides = array<i32>} : memref<16x256xf32, #tpu.memory_space<vmem>>, vector<1x16xf32>,
        %mul3A_1006 = arith.constant 8 : i32
        %mul3A_1007 = arith.muli %scan3A_98, %mul3A_1006 : i32
        %get3A_1008 = arith.index_cast %mul3A_1007 : i32 to index
        %get3A_1009 = arith.constant 192 : index
        %get3A_1010 = tpu.vector_load %arg7[%get3A_1008, %get3A_1009] {strides = array<i32>} : memref<128x256xf32, #tpu.memory_space<vmem>>, vector<1x16xf32>,
        %get3A_1011 = vector.shape_cast %get3A_1010 : vector<1x16xf32> to vector<16xf32>
        %mul3A_1012 = arith.constant 8 : i32
        %mul3A_1013 = arith.muli %scan3A_98, %mul3A_1012 : i32
        %add3A_1014 = arith.constant 1 : i32
        %add3A_1015 = arith.addi %mul3A_1013, %add3A_1014 : i32
        %get3A_1016 = arith.index_cast %add3A_1015 : i32 to index
        %get3A_1017 = arith.constant 192 : index
        %get3A_1018 = tpu.vector_load %arg7[%get3A_1016, %get3A_1017] {strides = array<i32>} : memref<128x256xf32, #tpu.memory_space<vmem>>, vector<1x16xf32>,
        %get3A_1019 = vector.shape_cast %get3A_1018 : vector<1x16xf32> to vector<16xf32>
        %add3A_1020 = arith.addf %get3A_1011, %get3A_1019 : vector<16xf32>
        %mul3A_1021 = arith.constant 8 : i32
        %mul3A_1022 = arith.muli %scan3A_98, %mul3A_1021 : i32
        %add3A_1023 = arith.constant 2 : i32
        %add3A_1024 = arith.addi %mul3A_1022, %add3A_1023 : i32
        %get3A_1025 = arith.index_cast %add3A_1024 : i32 to index
        %get3A_1026 = arith.constant 192 : index
        %get3A_1027 = tpu.vector_load %arg7[%get3A_1025, %get3A_1026] {strides = array<i32>} : memref<128x256xf32, #tpu.memory_space<vmem>>, vector<1x16xf32>,
        %get3A_1028 = vector.shape_cast %get3A_1027 : vector<1x16xf32> to vector<16xf32>
        %add3A_1029 = arith.addf %add3A_1020, %get3A_1028 : vector<16xf32>
        %mul3A_1030 = arith.constant 8 : i32
        %mul3A_1031 = arith.muli %scan3A_98, %mul3A_1030 : i32
        %add3A_1032 = arith.constant 3 : i32
        %add3A_1033 = arith.addi %mul3A_1031, %add3A_1032 : i32
        %get3A_1034 = arith.index_cast %add3A_1033 : i32 to index
        %get3A_1035 = arith.constant 192 : index
        %get3A_1036 = tpu.vector_load %arg7[%get3A_1034, %get3A_1035] {strides = array<i32>} : memref<128x256xf32, #tpu.memory_space<vmem>>, vector<1x16xf32>,
        %get3A_1037 = vector.shape_cast %get3A_1036 : vector<1x16xf32> to vector<16xf32>
        %add3A_1038 = arith.addf %add3A_1029, %get3A_1037 : vector<16xf32>
        %mul3A_1039 = arith.constant 8 : i32
        %mul3A_1040 = arith.muli %scan3A_98, %mul3A_1039 : i32
        %add3A_1041 = arith.constant 4 : i32
        %add3A_1042 = arith.addi %mul3A_1040, %add3A_1041 : i32
        %get3A_1043 = arith.index_cast %add3A_1042 : i32 to index
        %get3A_1044 = arith.constant 192 : index
        %get3A_1045 = tpu.vector_load %arg7[%get3A_1043, %get3A_1044] {strides = array<i32>} : memref<128x256xf32, #tpu.memory_space<vmem>>, vector<1x16xf32>,
        %get3A_1046 = vector.shape_cast %get3A_1045 : vector<1x16xf32> to vector<16xf32>
        %add3A_1047 = arith.addf %add3A_1038, %get3A_1046 : vector<16xf32>
        %mul3A_1048 = arith.constant 8 : i32
        %mul3A_1049 = arith.muli %scan3A_98, %mul3A_1048 : i32
        %add3A_1050 = arith.constant 5 : i32
        %add3A_1051 = arith.addi %mul3A_1049, %add3A_1050 : i32
        %get3A_1052 = arith.index_cast %add3A_1051 : i32 to index
        %get3A_1053 = arith.constant 192 : index
        %get3A_1054 = tpu.vector_load %arg7[%get3A_1052, %get3A_1053] {strides = array<i32>} : memref<128x256xf32, #tpu.memory_space<vmem>>, vector<1x16xf32>,
        %get3A_1055 = vector.shape_cast %get3A_1054 : vector<1x16xf32> to vector<16xf32>
        %add3A_1056 = arith.addf %add3A_1047, %get3A_1055 : vector<16xf32>
        %mul3A_1057 = arith.constant 8 : i32
        %mul3A_1058 = arith.muli %scan3A_98, %mul3A_1057 : i32
        %add3A_1059 = arith.constant 6 : i32
        %add3A_1060 = arith.addi %mul3A_1058, %add3A_1059 : i32
        %get3A_1061 = arith.index_cast %add3A_1060 : i32 to index
        %get3A_1062 = arith.constant 192 : index
        %get3A_1063 = tpu.vector_load %arg7[%get3A_1061, %get3A_1062] {strides = array<i32>} : memref<128x256xf32, #tpu.memory_space<vmem>>, vector<1x16xf32>,
        %get3A_1064 = vector.shape_cast %get3A_1063 : vector<1x16xf32> to vector<16xf32>
        %add3A_1065 = arith.addf %add3A_1056, %get3A_1064 : vector<16xf32>
        %mul3A_1066 = arith.constant 8 : i32
        %mul3A_1067 = arith.muli %scan3A_98, %mul3A_1066 : i32
        %add3A_1068 = arith.constant 7 : i32
        %add3A_1069 = arith.addi %mul3A_1067, %add3A_1068 : i32
        %get3A_1070 = arith.index_cast %add3A_1069 : i32 to index
        %get3A_1071 = arith.constant 192 : index
        %get3A_1072 = tpu.vector_load %arg7[%get3A_1070, %get3A_1071] {strides = array<i32>} : memref<128x256xf32, #tpu.memory_space<vmem>>, vector<1x16xf32>,
        %get3A_1073 = vector.shape_cast %get3A_1072 : vector<1x16xf32> to vector<16xf32>
        %add3A_1074 = arith.addf %add3A_1065, %get3A_1073 : vector<16xf32>
        %mul3A_1075 = arith.mulf %add3A_1074, %select_n3A : vector<16xf32>
        %swap3A_1076 = arith.index_cast %scan3A_98 : i32 to index
        %swap3A_1077 = arith.constant 192 : index
        %swap3A_1078 = tpu.vector_load %arg8[%swap3A_1076, %swap3A_1077] {strides = array<i32>} : memref<16x256xf32, #tpu.memory_space<vmem>>, vector<1x16xf32>,
        %swap3A_1079 = vector.shape_cast %swap3A_1078 : vector<1x16xf32> to vector<16xf32>
        %swap3A_1080 = vector.shape_cast %mul3A_1075 : vector<16xf32> to vector<1x16xf32>
        tpu.vector_store %arg8[%swap3A_1076, %swap3A_1077], %swap3A_1080 {strides = array<i32>} : memref<16x256xf32, #tpu.memory_space<vmem>>, vector<1x16xf32>,
        %mul3A_1081 = arith.constant 8 : i32
        %mul3A_1082 = arith.muli %scan3A_98, %mul3A_1081 : i32
        %get3A_1083 = arith.index_cast %mul3A_1082 : i32 to index
        %get3A_1084 = arith.constant 208 : index
        %get3A_1085 = tpu.vector_load %arg7[%get3A_1083, %get3A_1084] {strides = array<i32>} : memref<128x256xf32, #tpu.memory_space<vmem>>, vector<1x16xf32>,
        %get3A_1086 = vector.shape_cast %get3A_1085 : vector<1x16xf32> to vector<16xf32>
        %mul3A_1087 = arith.constant 8 : i32
        %mul3A_1088 = arith.muli %scan3A_98, %mul3A_1087 : i32
        %add3A_1089 = arith.constant 1 : i32
        %add3A_1090 = arith.addi %mul3A_1088, %add3A_1089 : i32
        %get3A_1091 = arith.index_cast %add3A_1090 : i32 to index
        %get3A_1092 = arith.constant 208 : index
        %get3A_1093 = tpu.vector_load %arg7[%get3A_1091, %get3A_1092] {strides = array<i32>} : memref<128x256xf32, #tpu.memory_space<vmem>>, vector<1x16xf32>,
        %get3A_1094 = vector.shape_cast %get3A_1093 : vector<1x16xf32> to vector<16xf32>
        %add3A_1095 = arith.addf %get3A_1086, %get3A_1094 : vector<16xf32>
        %mul3A_1096 = arith.constant 8 : i32
        %mul3A_1097 = arith.muli %scan3A_98, %mul3A_1096 : i32
        %add3A_1098 = arith.constant 2 : i32
        %add3A_1099 = arith.addi %mul3A_1097, %add3A_1098 : i32
        %get3A_1100 = arith.index_cast %add3A_1099 : i32 to index
        %get3A_1101 = arith.constant 208 : index
        %get3A_1102 = tpu.vector_load %arg7[%get3A_1100, %get3A_1101] {strides = array<i32>} : memref<128x256xf32, #tpu.memory_space<vmem>>, vector<1x16xf32>,
        %get3A_1103 = vector.shape_cast %get3A_1102 : vector<1x16xf32> to vector<16xf32>
        %add3A_1104 = arith.addf %add3A_1095, %get3A_1103 : vector<16xf32>
        %mul3A_1105 = arith.constant 8 : i32
        %mul3A_1106 = arith.muli %scan3A_98, %mul3A_1105 : i32
        %add3A_1107 = arith.constant 3 : i32
        %add3A_1108 = arith.addi %mul3A_1106, %add3A_1107 : i32
        %get3A_1109 = arith.index_cast %add3A_1108 : i32 to index
        %get3A_1110 = arith.constant 208 : index
        %get3A_1111 = tpu.vector_load %arg7[%get3A_1109, %get3A_1110] {strides = array<i32>} : memref<128x256xf32, #tpu.memory_space<vmem>>, vector<1x16xf32>,
        %get3A_1112 = vector.shape_cast %get3A_1111 : vector<1x16xf32> to vector<16xf32>
        %add3A_1113 = arith.addf %add3A_1104, %get3A_1112 : vector<16xf32>
        %mul3A_1114 = arith.constant 8 : i32
        %mul3A_1115 = arith.muli %scan3A_98, %mul3A_1114 : i32
        %add3A_1116 = arith.constant 4 : i32
        %add3A_1117 = arith.addi %mul3A_1115, %add3A_1116 : i32
        %get3A_1118 = arith.index_cast %add3A_1117 : i32 to index
        %get3A_1119 = arith.constant 208 : index
        %get3A_1120 = tpu.vector_load %arg7[%get3A_1118, %get3A_1119] {strides = array<i32>} : memref<128x256xf32, #tpu.memory_space<vmem>>, vector<1x16xf32>,
        %get3A_1121 = vector.shape_cast %get3A_1120 : vector<1x16xf32> to vector<16xf32>
        %add3A_1122 = arith.addf %add3A_1113, %get3A_1121 : vector<16xf32>
        %mul3A_1123 = arith.constant 8 : i32
        %mul3A_1124 = arith.muli %scan3A_98, %mul3A_1123 : i32
        %add3A_1125 = arith.constant 5 : i32
        %add3A_1126 = arith.addi %mul3A_1124, %add3A_1125 : i32
        %get3A_1127 = arith.index_cast %add3A_1126 : i32 to index
        %get3A_1128 = arith.constant 208 : index
        %get3A_1129 = tpu.vector_load %arg7[%get3A_1127, %get3A_1128] {strides = array<i32>} : memref<128x256xf32, #tpu.memory_space<vmem>>, vector<1x16xf32>,
        %get3A_1130 = vector.shape_cast %get3A_1129 : vector<1x16xf32> to vector<16xf32>
        %add3A_1131 = arith.addf %add3A_1122, %get3A_1130 : vector<16xf32>
        %mul3A_1132 = arith.constant 8 : i32
        %mul3A_1133 = arith.muli %scan3A_98, %mul3A_1132 : i32
        %add3A_1134 = arith.constant 6 : i32
        %add3A_1135 = arith.addi %mul3A_1133, %add3A_1134 : i32
        %get3A_1136 = arith.index_cast %add3A_1135 : i32 to index
        %get3A_1137 = arith.constant 208 : index
        %get3A_1138 = tpu.vector_load %arg7[%get3A_1136, %get3A_1137] {strides = array<i32>} : memref<128x256xf32, #tpu.memory_space<vmem>>, vector<1x16xf32>,
        %get3A_1139 = vector.shape_cast %get3A_1138 : vector<1x16xf32> to vector<16xf32>
        %add3A_1140 = arith.addf %add3A_1131, %get3A_1139 : vector<16xf32>
        %mul3A_1141 = arith.constant 8 : i32
        %mul3A_1142 = arith.muli %scan3A_98, %mul3A_1141 : i32
        %add3A_1143 = arith.constant 7 : i32
        %add3A_1144 = arith.addi %mul3A_1142, %add3A_1143 : i32
        %get3A_1145 = arith.index_cast %add3A_1144 : i32 to index
        %get3A_1146 = arith.constant 208 : index
        %get3A_1147 = tpu.vector_load %arg7[%get3A_1145, %get3A_1146] {strides = array<i32>} : memref<128x256xf32, #tpu.memory_space<vmem>>, vector<1x16xf32>,
        %get3A_1148 = vector.shape_cast %get3A_1147 : vector<1x16xf32> to vector<16xf32>
        %add3A_1149 = arith.addf %add3A_1140, %get3A_1148 : vector<16xf32>
        %mul3A_1150 = arith.mulf %add3A_1149, %select_n3A : vector<16xf32>
        %swap3A_1151 = arith.index_cast %scan3A_98 : i32 to index
        %swap3A_1152 = arith.constant 208 : index
        %swap3A_1153 = tpu.vector_load %arg8[%swap3A_1151, %swap3A_1152] {strides = array<i32>} : memref<16x256xf32, #tpu.memory_space<vmem>>, vector<1x16xf32>,
        %swap3A_1154 = vector.shape_cast %swap3A_1153 : vector<1x16xf32> to vector<16xf32>
        %swap3A_1155 = vector.shape_cast %mul3A_1150 : vector<16xf32> to vector<1x16xf32>
        tpu.vector_store %arg8[%swap3A_1151, %swap3A_1152], %swap3A_1155 {strides = array<i32>} : memref<16x256xf32, #tpu.memory_space<vmem>>, vector<1x16xf32>,
        %mul3A_1156 = arith.constant 8 : i32
        %mul3A_1157 = arith.muli %scan3A_98, %mul3A_1156 : i32
        %get3A_1158 = arith.index_cast %mul3A_1157 : i32 to index
        %get3A_1159 = arith.constant 224 : index
        %get3A_1160 = tpu.vector_load %arg7[%get3A_1158, %get3A_1159] {strides = array<i32>} : memref<128x256xf32, #tpu.memory_space<vmem>>, vector<1x16xf32>,
        %get3A_1161 = vector.shape_cast %get3A_1160 : vector<1x16xf32> to vector<16xf32>
        %mul3A_1162 = arith.constant 8 : i32
        %mul3A_1163 = arith.muli %scan3A_98, %mul3A_1162 : i32
        %add3A_1164 = arith.constant 1 : i32
        %add3A_1165 = arith.addi %mul3A_1163, %add3A_1164 : i32
        %get3A_1166 = arith.index_cast %add3A_1165 : i32 to index
        %get3A_1167 = arith.constant 224 : index
        %get3A_1168 = tpu.vector_load %arg7[%get3A_1166, %get3A_1167] {strides = array<i32>} : memref<128x256xf32, #tpu.memory_space<vmem>>, vector<1x16xf32>,
        %get3A_1169 = vector.shape_cast %get3A_1168 : vector<1x16xf32> to vector<16xf32>
        %add3A_1170 = arith.addf %get3A_1161, %get3A_1169 : vector<16xf32>
        %mul3A_1171 = arith.constant 8 : i32
        %mul3A_1172 = arith.muli %scan3A_98, %mul3A_1171 : i32
        %add3A_1173 = arith.constant 2 : i32
        %add3A_1174 = arith.addi %mul3A_1172, %add3A_1173 : i32
        %get3A_1175 = arith.index_cast %add3A_1174 : i32 to index
        %get3A_1176 = arith.constant 224 : index
        %get3A_1177 = tpu.vector_load %arg7[%get3A_1175, %get3A_1176] {strides = array<i32>} : memref<128x256xf32, #tpu.memory_space<vmem>>, vector<1x16xf32>,
        %get3A_1178 = vector.shape_cast %get3A_1177 : vector<1x16xf32> to vector<16xf32>
        %add3A_1179 = arith.addf %add3A_1170, %get3A_1178 : vector<16xf32>
        %mul3A_1180 = arith.constant 8 : i32
        %mul3A_1181 = arith.muli %scan3A_98, %mul3A_1180 : i32
        %add3A_1182 = arith.constant 3 : i32
        %add3A_1183 = arith.addi %mul3A_1181, %add3A_1182 : i32
        %get3A_1184 = arith.index_cast %add3A_1183 : i32 to index
        %get3A_1185 = arith.constant 224 : index
        %get3A_1186 = tpu.vector_load %arg7[%get3A_1184, %get3A_1185] {strides = array<i32>} : memref<128x256xf32, #tpu.memory_space<vmem>>, vector<1x16xf32>,
        %get3A_1187 = vector.shape_cast %get3A_1186 : vector<1x16xf32> to vector<16xf32>
        %add3A_1188 = arith.addf %add3A_1179, %get3A_1187 : vector<16xf32>
        %mul3A_1189 = arith.constant 8 : i32
        %mul3A_1190 = arith.muli %scan3A_98, %mul3A_1189 : i32
        %add3A_1191 = arith.constant 4 : i32
        %add3A_1192 = arith.addi %mul3A_1190, %add3A_1191 : i32
        %get3A_1193 = arith.index_cast %add3A_1192 : i32 to index
        %get3A_1194 = arith.constant 224 : index
        %get3A_1195 = tpu.vector_load %arg7[%get3A_1193, %get3A_1194] {strides = array<i32>} : memref<128x256xf32, #tpu.memory_space<vmem>>, vector<1x16xf32>,
        %get3A_1196 = vector.shape_cast %get3A_1195 : vector<1x16xf32> to vector<16xf32>
        %add3A_1197 = arith.addf %add3A_1188, %get3A_1196 : vector<16xf32>
        %mul3A_1198 = arith.constant 8 : i32
        %mul3A_1199 = arith.muli %scan3A_98, %mul3A_1198 : i32
        %add3A_1200 = arith.constant 5 : i32
        %add3A_1201 = arith.addi %mul3A_1199, %add3A_1200 : i32
        %get3A_1202 = arith.index_cast %add3A_1201 : i32 to index
        %get3A_1203 = arith.constant 224 : index
        %get3A_1204 = tpu.vector_load %arg7[%get3A_1202, %get3A_1203] {strides = array<i32>} : memref<128x256xf32, #tpu.memory_space<vmem>>, vector<1x16xf32>,
        %get3A_1205 = vector.shape_cast %get3A_1204 : vector<1x16xf32> to vector<16xf32>
        %add3A_1206 = arith.addf %add3A_1197, %get3A_1205 : vector<16xf32>
        %mul3A_1207 = arith.constant 8 : i32
        %mul3A_1208 = arith.muli %scan3A_98, %mul3A_1207 : i32
        %add3A_1209 = arith.constant 6 : i32
        %add3A_1210 = arith.addi %mul3A_1208, %add3A_1209 : i32
        %get3A_1211 = arith.index_cast %add3A_1210 : i32 to index
        %get3A_1212 = arith.constant 224 : index
        %get3A_1213 = tpu.vector_load %arg7[%get3A_1211, %get3A_1212] {strides = array<i32>} : memref<128x256xf32, #tpu.memory_space<vmem>>, vector<1x16xf32>,
        %get3A_1214 = vector.shape_cast %get3A_1213 : vector<1x16xf32> to vector<16xf32>
        %add3A_1215 = arith.addf %add3A_1206, %get3A_1214 : vector<16xf32>
        %mul3A_1216 = arith.constant 8 : i32
        %mul3A_1217 = arith.muli %scan3A_98, %mul3A_1216 : i32
        %add3A_1218 = arith.constant 7 : i32
        %add3A_1219 = arith.addi %mul3A_1217, %add3A_1218 : i32
        %get3A_1220 = arith.index_cast %add3A_1219 : i32 to index
        %get3A_1221 = arith.constant 224 : index
        %get3A_1222 = tpu.vector_load %arg7[%get3A_1220, %get3A_1221] {strides = array<i32>} : memref<128x256xf32, #tpu.memory_space<vmem>>, vector<1x16xf32>,
        %get3A_1223 = vector.shape_cast %get3A_1222 : vector<1x16xf32> to vector<16xf32>
        %add3A_1224 = arith.addf %add3A_1215, %get3A_1223 : vector<16xf32>
        %mul3A_1225 = arith.mulf %add3A_1224, %select_n3A : vector<16xf32>
        %swap3A_1226 = arith.index_cast %scan3A_98 : i32 to index
        %swap3A_1227 = arith.constant 224 : index
        %swap3A_1228 = tpu.vector_load %arg8[%swap3A_1226, %swap3A_1227] {strides = array<i32>} : memref<16x256xf32, #tpu.memory_space<vmem>>, vector<1x16xf32>,
        %swap3A_1229 = vector.shape_cast %swap3A_1228 : vector<1x16xf32> to vector<16xf32>
        %swap3A_1230 = vector.shape_cast %mul3A_1225 : vector<16xf32> to vector<1x16xf32>
        tpu.vector_store %arg8[%swap3A_1226, %swap3A_1227], %swap3A_1230 {strides = array<i32>} : memref<16x256xf32, #tpu.memory_space<vmem>>, vector<1x16xf32>,
        %mul3A_1231 = arith.constant 8 : i32
        %mul3A_1232 = arith.muli %scan3A_98, %mul3A_1231 : i32
        %get3A_1233 = arith.index_cast %mul3A_1232 : i32 to index
        %get3A_1234 = arith.constant 240 : index
        %get3A_1235 = tpu.vector_load %arg7[%get3A_1233, %get3A_1234] {strides = array<i32>} : memref<128x256xf32, #tpu.memory_space<vmem>>, vector<1x16xf32>,
        %get3A_1236 = vector.shape_cast %get3A_1235 : vector<1x16xf32> to vector<16xf32>
        %mul3A_1237 = arith.constant 8 : i32
        %mul3A_1238 = arith.muli %scan3A_98, %mul3A_1237 : i32
        %add3A_1239 = arith.constant 1 : i32
        %add3A_1240 = arith.addi %mul3A_1238, %add3A_1239 : i32
        %get3A_1241 = arith.index_cast %add3A_1240 : i32 to index
        %get3A_1242 = arith.constant 240 : index
        %get3A_1243 = tpu.vector_load %arg7[%get3A_1241, %get3A_1242] {strides = array<i32>} : memref<128x256xf32, #tpu.memory_space<vmem>>, vector<1x16xf32>,
        %get3A_1244 = vector.shape_cast %get3A_1243 : vector<1x16xf32> to vector<16xf32>
        %add3A_1245 = arith.addf %get3A_1236, %get3A_1244 : vector<16xf32>
        %mul3A_1246 = arith.constant 8 : i32
        %mul3A_1247 = arith.muli %scan3A_98, %mul3A_1246 : i32
        %add3A_1248 = arith.constant 2 : i32
        %add3A_1249 = arith.addi %mul3A_1247, %add3A_1248 : i32
        %get3A_1250 = arith.index_cast %add3A_1249 : i32 to index
        %get3A_1251 = arith.constant 240 : index
        %get3A_1252 = tpu.vector_load %arg7[%get3A_1250, %get3A_1251] {strides = array<i32>} : memref<128x256xf32, #tpu.memory_space<vmem>>, vector<1x16xf32>,
        %get3A_1253 = vector.shape_cast %get3A_1252 : vector<1x16xf32> to vector<16xf32>
        %add3A_1254 = arith.addf %add3A_1245, %get3A_1253 : vector<16xf32>
        %mul3A_1255 = arith.constant 8 : i32
        %mul3A_1256 = arith.muli %scan3A_98, %mul3A_1255 : i32
        %add3A_1257 = arith.constant 3 : i32
        %add3A_1258 = arith.addi %mul3A_1256, %add3A_1257 : i32
        %get3A_1259 = arith.index_cast %add3A_1258 : i32 to index
        %get3A_1260 = arith.constant 240 : index
        %get3A_1261 = tpu.vector_load %arg7[%get3A_1259, %get3A_1260] {strides = array<i32>} : memref<128x256xf32, #tpu.memory_space<vmem>>, vector<1x16xf32>,
        %get3A_1262 = vector.shape_cast %get3A_1261 : vector<1x16xf32> to vector<16xf32>
        %add3A_1263 = arith.addf %add3A_1254, %get3A_1262 : vector<16xf32>
        %mul3A_1264 = arith.constant 8 : i32
        %mul3A_1265 = arith.muli %scan3A_98, %mul3A_1264 : i32
        %add3A_1266 = arith.constant 4 : i32
        %add3A_1267 = arith.addi %mul3A_1265, %add3A_1266 : i32
        %get3A_1268 = arith.index_cast %add3A_1267 : i32 to index
        %get3A_1269 = arith.constant 240 : index
        %get3A_1270 = tpu.vector_load %arg7[%get3A_1268, %get3A_1269] {strides = array<i32>} : memref<128x256xf32, #tpu.memory_space<vmem>>, vector<1x16xf32>,
        %get3A_1271 = vector.shape_cast %get3A_1270 : vector<1x16xf32> to vector<16xf32>
        %add3A_1272 = arith.addf %add3A_1263, %get3A_1271 : vector<16xf32>
        %mul3A_1273 = arith.constant 8 : i32
        %mul3A_1274 = arith.muli %scan3A_98, %mul3A_1273 : i32
        %add3A_1275 = arith.constant 5 : i32
        %add3A_1276 = arith.addi %mul3A_1274, %add3A_1275 : i32
        %get3A_1277 = arith.index_cast %add3A_1276 : i32 to index
        %get3A_1278 = arith.constant 240 : index
        %get3A_1279 = tpu.vector_load %arg7[%get3A_1277, %get3A_1278] {strides = array<i32>} : memref<128x256xf32, #tpu.memory_space<vmem>>, vector<1x16xf32>,
        %get3A_1280 = vector.shape_cast %get3A_1279 : vector<1x16xf32> to vector<16xf32>
        %add3A_1281 = arith.addf %add3A_1272, %get3A_1280 : vector<16xf32>
        %mul3A_1282 = arith.constant 8 : i32
        %mul3A_1283 = arith.muli %scan3A_98, %mul3A_1282 : i32
        %add3A_1284 = arith.constant 6 : i32
        %add3A_1285 = arith.addi %mul3A_1283, %add3A_1284 : i32
        %get3A_1286 = arith.index_cast %add3A_1285 : i32 to index
        %get3A_1287 = arith.constant 240 : index
        %get3A_1288 = tpu.vector_load %arg7[%get3A_1286, %get3A_1287] {strides = array<i32>} : memref<128x256xf32, #tpu.memory_space<vmem>>, vector<1x16xf32>,
        %get3A_1289 = vector.shape_cast %get3A_1288 : vector<1x16xf32> to vector<16xf32>
        %add3A_1290 = arith.addf %add3A_1281, %get3A_1289 : vector<16xf32>
        %mul3A_1291 = arith.constant 8 : i32
        %mul3A_1292 = arith.muli %scan3A_98, %mul3A_1291 : i32
        %add3A_1293 = arith.constant 7 : i32
        %add3A_1294 = arith.addi %mul3A_1292, %add3A_1293 : i32
        %get3A_1295 = arith.index_cast %add3A_1294 : i32 to index
        %get3A_1296 = arith.constant 240 : index
        %get3A_1297 = tpu.vector_load %arg7[%get3A_1295, %get3A_1296] {strides = array<i32>} : memref<128x256xf32, #tpu.memory_space<vmem>>, vector<1x16xf32>,
        %get3A_1298 = vector.shape_cast %get3A_1297 : vector<1x16xf32> to vector<16xf32>
        %add3A_1299 = arith.addf %add3A_1290, %get3A_1298 : vector<16xf32>
        %mul3A_1300 = arith.mulf %add3A_1299, %select_n3A : vector<16xf32>
        %swap3A_1301 = arith.index_cast %scan3A_98 : i32 to index
        %swap3A_1302 = arith.constant 240 : index
        %swap3A_1303 = tpu.vector_load %arg8[%swap3A_1301, %swap3A_1302] {strides = array<i32>} : memref<16x256xf32, #tpu.memory_space<vmem>>, vector<1x16xf32>,
        %swap3A_1304 = vector.shape_cast %swap3A_1303 : vector<1x16xf32> to vector<16xf32>
        %swap3A_1305 = vector.shape_cast %mul3A_1300 : vector<16xf32> to vector<1x16xf32>
        tpu.vector_store %arg8[%swap3A_1301, %swap3A_1302], %swap3A_1305 {strides = array<i32>} : memref<16x256xf32, #tpu.memory_space<vmem>>, vector<1x16xf32>,
        %scan3A_1306 = arith.constant 0 : i32
        scf.yield %scan3A_1306 : i32
      }
      %scan3A_96 = arith.constant 16 : i32
      "tpu.region"() ({
        %run_scoped3A = tpu.sem_alloc : memref<!tpu.dma_semaphore, #tpu.memory_space<semaphore_mem>>
        %dma_start3A_98 = arith.constant 0 : i32
        %dma_start3A_99 = tpu.memref_slice %arg5[%add3A_20, %dma_start3A_98] : memref<32768x256xf32, #tpu.memory_space<hbm>> -> memref<16x256xf32, #tpu.memory_space<hbm>>
        %dma_start3A_100 = arith.constant 0 : i32
        %dma_start3A_101 = tpu.memref_slice %arg5[%add3A_20, %dma_start3A_100] : memref<32768x256xf32, #tpu.memory_space<hbm>> -> memref<16x256xf32, #tpu.memory_space<hbm>>
        tpu.enqueue_dma source(%arg8 : memref<16x256xf32, #tpu.memory_space<vmem>>) target(%dma_start3A_101 : memref<16x256xf32, #tpu.memory_space<hbm>>) target_semaphore(%run_scoped3A : memref<!tpu.dma_semaphore, #tpu.memory_space<semaphore_mem>>)
        %dma_wait3A_102 = arith.constant 0 : i32
        %dma_wait3A_103 = tpu.memref_slice %arg5[%add3A_20, %dma_wait3A_102] : memref<32768x256xf32, #tpu.memory_space<hbm>> -> memref<16x256xf32, #tpu.memory_space<hbm>>
        %dma_wait3A_104 = arith.constant 0 : i32
        %dma_wait3A_105 = tpu.memref_slice %arg5[%add3A_20, %dma_wait3A_104] : memref<32768x256xf32, #tpu.memory_space<hbm>> -> memref<16x256xf32, #tpu.memory_space<hbm>>
        tpu.wait_dma2 semaphore(%run_scoped3A : memref<!tpu.dma_semaphore, #tpu.memory_space<semaphore_mem>>) src(%arg8 : memref<16x256xf32, #tpu.memory_space<vmem>>) dst(%dma_wait3A_105 : memref<16x256xf32, #tpu.memory_space<hbm>>)
        tpu.yield
      }) : () -> ()
      %scan3A_97 = arith.constant 0 : i32
      scf.yield %scan3A_97 : i32
    }
    %scan3A_15 = arith.constant 64 : i32
    return
  }
}

</mosaic_0001>

<sc_bundles>
// kernel: _decode.3.cloned.1.call-start
scs
__scs_entry_jumppad:
0x0: {  	(pc) =	sbr.rel $0x88, $3  }
0x1: {  	(tag) =	ssettag $0x0;
	lr =	simm.s32 $0x1  }
0x2: {  	[smem:$0x3F9E] =	sst lr;
	_ =	strace $0xD0000000  }
0x3: {  	_ = 	snop  }
0x4: {  	_ = 	snop  }
0x5: {  	_ = 	snop  }
0x6: {  	_ = 	snop  }
0x7: {  	_ = 	snop  }
__scs_overlays_trampoline_lowered:
0x8: {  	[smem:$0x3FAD] =	sst s0  }
0x9: {  	[smem:$0x3FAE] =	sst s1  }
0xa: {  	[smem:$0x3FAF] =	sst s2  }
0xb: {  	[smem:$0x3FB0] =	sst s3  }
0xc: {  	[smem:$0x3FB1] =	sst s4  }
0xd: {  	[smem:$0x3FB2] =	sst s5  }
0xe: {  	[smem:$0x3FB3] =	sst s6  }
0xf: {  	[smem:$0x3FB4] =	sst s7  }
0x10: {  	[smem:$0x3FB5] =	sst s8  }
0x11: {  	[smem:$0x3FB6] =	sst s9;
	s0 =	simm.s32 @!p0 $0x0  }
0x12: {  	s1 =	sld [smem:$0x3F9C];
	s0 =	simm.s32 @p0 $0x1  }
0x13: {  	[smem:$0x3FB7] =	sst s0;
	s0 =	simm.s32 @!p1 $0x0  }
0x14: {  	s2 =	sld [smem:$0x3F9B];
	s0 =	simm.s32 @p1 $0x1  }
0x15: {  	[smem:$0x3FB8] =	sst s0;
	s0 =	simm.s32 @!p2 $0x0  }
0x16: {  	s3 =	sld [smem:$0x3FDB];
	s0 =	simm.s32 @p2 $0x1  }
0x17: {  	s4 =	simm.s32 $0x1BF5;
	[smem:$0x3FBA] =	sst s0  }
0x18: {  	s0 =	sld [smem:$0x3F9D];
	_ =	swait.ge [sflag:s4], $0x0  }
0x19: {  	s7 =	sld [smem:$0x3F9E]  }
0x1a: {  	s8 =	sadd.s32 $0xFFFFE003, lr  }
0x1b: {  	s9 =	sadd.s32 $0xFFFFFEF7, lr;
	s5 =	simm.s32 $0xFFFFFFFF;
	p2 =	slt.u32 s8, $0xFFFFF086  }
0x1c: {  	p1 =	slt.u32 s9, $0xF7A;
	s5 =	simm.s32 @!p2 $0x0  }
0x1d: {  	s5 =	simm.s32 @p1 $0x1;
	p0 =	seq.s32 s7, s2  }
0x1e: {  	s7 =	smul.u32 @!p0 $0xF7A, s2;
	p2 =	seq.s32 @!p0 s5, $0x0  }
0x1f: {  	s9 =	smul.u32 $0xF7A, s1;
	s8 =	simm.s32 @!p0 $0x1BF5;
	p2 =	por !p2, p0  }
0x20: {  	[sflag:s8] =	ssyncset.s32 @!p0 $0xFFFFF086;
	s6 =	sadd.s32 @!p0 s3, s7;
	s7 =	simm.s32 @!p0 $0x108  }
0x21: {  	s3 =	sadd.s32 s3, s9;
	s6 =	sadd.s32 @!p0 $0x88, s6;
	s7 =	simm.s32 @p2 $0x1082  }
0x22: {  	[simem:s7], [sflag:s8] =	dma.local @!p0 [hbm:s6], $0xF7A  }
0x23: {  	s9 =	sor.u32 $0xD0000000, s2;
	s6 =	simm.s32 $0x108;
	_ =	swait.ge @!p0 [sflag:s8], $0x0  }
0x24: {  	s3 =	sadd.s32 $0x88, s3;
	s6 =	simm.s32 @!p1 $0x1082;
	[sflag:s4] =	ssyncset.s32 $0xFFFFF086  }
0x25: {  	[simem:s6], [sflag:s4] =	dma.local [hbm:s3], $0xF7A  }
0x26: {  	[smem:$0x3F9E] =	sst s1;
	(tag) =	ssettag s2;
	_ =	strace s9  }
0x27: {  	s1 =	sld [smem:$0x3FAE]  }
0x28: {  	s2 =	sld [smem:$0x3FAF]  }
0x29: {  	s4 =	sld [smem:$0x3FB1]  }
0x2a: {  	p0 =	seq.s32 s5, $0x0;
	s5 =	sld [smem:$0x3FB2]  }
0x2b: {  	s6 =	sld [smem:$0x3FB3]  }
0x2c: {  	s7 =	sld [smem:$0x3FB4]  }
0x2d: {  	s3 =	simm.s32 $0x108;
	s8 =	sld [smem:$0x3FB5]  }
0x2e: {  	s3 =	simm.s32 @!p0 $0x1082;
	s9 =	sld [smem:$0x3FB6]  }
0x2f: {  	lr =	sadd.s32 s0, s3;
	s0 =	sld [smem:$0x3FAD]  }
0x30: {  	s3 =	sld [smem:$0x3FB0]  }
0x31: {  	[smem:$0x3FB9] =	sst s10  }
0x32: {  	s10 =	sld [smem:$0x3FB7];
	_ =	sdelay $0x3  }
0x33: {  	p0 =	seq.s32 s10, $0x1;
	s10 =	sld [smem:$0x3FB9];
	_ =	sdelay $0x3  }
0x34: {  	[smem:$0x3FB9] =	sst s10  }
0x35: {  	s10 =	sld [smem:$0x3FB8];
	_ =	sdelay $0x3  }
0x36: {  	p1 =	seq.s32 s10, $0x1;
	s10 =	sld [smem:$0x3FB9];
	_ =	sdelay $0x3  }
0x37: {  	[smem:$0x3FB9] =	sst s10  }
0x38: {  	s10 =	sld [smem:$0x3FBA]  }
0x39: {  	_ = 	snop;
	(pc) =	sbr.ind lr, $3  }
0x3a: {  	_ = 	snop  }
0x3b: {  	_ = 	snop  }
0x3c: {  	p2 =	seq.s32 s10, $0x1;
	s10 =	sld [smem:$0x3FB9]  }
0x3d: {  	_ =	shalt  }
0x3e: {  	_ =	shalt  }
0x3f: {  	_ =	shalt  }
0x40: {  	_ =	shalt  }
0x41: {  	_ =	shalt  }
0x42: {  	_ =	shalt  }
0x43: {  	_ =	shalt  }
0x44: {  	_ =	shalt  }
0x45: {  	_ =	shalt  }
0x46: {  	_ =	shalt  }
0x47: {  	_ =	shalt  }
0x48: {  	_ =	shalt  }
0x49: {  	_ =	shalt  }
0x4a: {  	_ =	shalt  }
0x4b: {  	_ =	shalt  }
0x4c: {  	_ =	shalt  }
0x4d: {  	_ =	shalt  }
0x4e: {  	_ =	shalt  }
0x4f: {  	_ =	shalt  }
0x50: {  	_ =	shalt  }
0x51: {  	_ =	shalt  }
0x52: {  	_ =	shalt  }
0x53: {  	_ =	shalt  }
0x54: {  	_ =	shalt  }
0x55: {  	_ =	shalt  }
0x56: {  	_ =	shalt  }
0x57: {  	_ =	shalt  }
0x58: {  	_ =	shalt  }
0x59: {  	_ =	shalt  }
0x5a: {  	_ =	shalt  }
0x5b: {  	_ =	shalt  }
0x5c: {  	_ =	shalt  }
0x5d: {  	_ =	shalt  }
0x5e: {  	_ =	shalt  }
0x5f: {  	_ =	shalt  }
0x60: {  	_ =	shalt  }
0x61: {  	_ =	shalt  }
0x62: {  	_ =	shalt  }
0x63: {  	_ =	shalt  }
0x64: {  	_ =	shalt  }
0x65: {  	_ =	shalt  }
0x66: {  	_ =	shalt  }
0x67: {  	_ =	shalt  }
0x68: {  	_ =	shalt  }
0x69: {  	_ =	shalt  }
0x6a: {  	_ =	shalt  }
0x6b: {  	_ =	shalt  }
0x6c: {  	_ =	shalt  }
0x6d: {  	_ =	shalt  }
0x6e: {  	_ =	shalt  }
0x6f: {  	_ =	shalt  }
0x70: {  	_ =	shalt  }
0x71: {  	_ =	shalt  }
0x72: {  	_ =	shalt  }
0x73: {  	_ =	shalt  }
0x74: {  	_ =	shalt  }
0x75: {  	_ =	shalt  }
0x76: {  	_ =	shalt  }
0x77: {  	_ =	shalt  }
0x78: {  	_ =	shalt  }
0x79: {  	_ =	shalt  }
0x7a: {  	_ =	shalt  }
0x7b: {  	_ =	shalt  }
0x7c: {  	_ =	shalt  }
0x7d: {  	_ =	shalt  }
0x7e: {  	_ =	shalt  }
0x7f: {  	_ =	shalt  }
0x80: {  	_ =	shalt  }
0x81: {  	_ =	shalt  }
0x82: {  	_ =	shalt  }
0x83: {  	_ =	shalt  }
0x84: {  	_ =	shalt  }
0x85: {  	_ =	shalt  }
0x86: {  	_ =	shalt  }
0x87: {  	_ =	shalt  }
.Lfunc_end0:
.L_simem_size_0:
called_computation_lowered:
.L_overlay_start_0:
0x88: {  	s2 =	sld [smem:$0x3FD9]  }
0x89: {  	s3 =	sld [smem:$0x3FFE];
	_ =	sdelay $0x1  }
0x8a: {  	s1 =	srdreg.scid  }
0x8b: {  	s0 =	sand.u32 $0x1, s1  }
0x8c: {  	s17 =	sshll.u32 s0, $0xA;
	s2 =	sadd.s32 s3, s2  }
0x8d: {  	s2 =	sadd.s32 s2, s17  }
0x8e: {  	[smem:$0x3FC5] =	sst s2  }
0x8f: {  	_ = 	snop  }
0x90: {  	s2 =	sld [smem:$0x3FC9]  }
0x91: {  	s18 =	sld [smem:$0x3FC7]  }
0x92: {  	s4 =	sld [smem:$0x3FD0];
	(tm) =	ssettm $0x1  }
0x93: {  	s5 =	sld [smem:$0x3FFB];
	_ =	sdelay $0x3  }
0x94: {  	_ =	strace s5  }
0x95: {  	s5 =	sld [smem:$0x3FFC];
	_ =	sdelay $0x3  }
0x96: {  	_ =	strace s5  }
0x97: {  	s5 =	sld [smem:$0x3FFD];
	_ =	sdelay $0x3  }
0x98: {  	_ =	strace s5  }
0x99: {  	_ =	strace $0x8FFFFFFF  }
0x9a: {  	s19 =	sld [smem:$0x3FDB];
	_ =	sdelay $0x1  }
0x9b: {  	s6 =	simm.s32 $_scs_section_size  }
0x9c: {  	s7 =	simm.s32 $_size__tile_overlayer_lowered;
	s8 =	simm.s32 $_tile_overlayer_lowered  }
0x9d: {  	s22 =	simm.s32 $0x1BFF;
	s21 =	sshll.u32 s8, $0x1;
	s5 =	sadd.s32 s6, s19  }
0x9e: {  	s9 =	simm.s32 $0x0;
	s20 =	sshll.u32 s7, $0x1;
	s7 =	sadd.s32 s21, s5  }
0x9f: {  	[timem:s9], [sflag:s22] =	dma.local [hbm:s7], s20  }
0xa0: {  	_ =	swait.ge [sflag:s22], s20  }
0xa1: {  	s6 =	ssub.s32 $0x0, s20;
	[sflag:s22] =	ssyncset.done $0x0  }
0xa2: {  	[sflag:s22] =	ssyncadd.s32 s6;
	_ =	sdelay $0x1  }
0xa3: {  	s23 =	simm.s32 $0x1B8B  }
0xa4: {  	_ =	swait.ge [sflag:s23], $0x1  }
0xa5: {  	[sflag:s23] =	ssyncset.done $0x0  }
0xa6: {  	s25 =	simm.s32 $0x1B8E;
	s24 =	sld [smem:$0x3FFE];
	[sflag:s23] =	ssyncadd.s32 $0xFFFFFFFF  }
0xa7: {  	s26 =	simm.s32 $execute0_lowered;
	[smem:$0x3FD2] =	sst s25  }
0xa8: {  	s7 =	sshll.u32 s26, $0x1;
	_ =	strace $0x80000046;
	[dreg:$0x1] =	wrdreg $0xFFFFFFFF  }
0xa9: {  	s28 =	simm.s32 $_size_execute0_lowered;
	s5 =	sadd.s32 s5, s7;
	[dreg:$0x0] =	wrdreg $0x0  }
0xaa: {  	s7 =	sshll.u32 s28, $0x1;
	[dreg:$0x2] =	wrdreg s5  }
0xab: {  	[dreg:$0x3] =	wrdreg s7  }
0xac: {  	[dreg:$0x4] =	wrdreg $0xC0  }
0xad: {  	_ =	task [dreg:s9], $0x5FFFF  }
0xae: {  	[dreg:$0x1] =	wrdreg $0xFFFFFFFF  }
0xaf: {  	[dreg:$0x0] =	wrdreg $0x60  }
0xb0: {  	[dreg:$0x2] =	wrdreg s2  }
0xb1: {  	[dreg:$0x3] =	wrdreg s24  }
0xb2: {  	[dreg:$0x4] =	wrdreg s18  }
0xb3: {  	[dreg:$0x5] =	wrdreg s4  }
0xb4: {  	[dreg:$0x6] =	wrdreg $0x9  }
0xb5: {  	_ =	task.clear_ibuf [dreg:s9], $0x7FFFF;
	_ =	strace $0x90000046  }
0xb6: {  	s29 =	simm.s32 $0x9;
	_ =	strace $0x80000048  }
0xb7: {  	_ =	swait.ge [sflag:s29], $0x1  }
0xb8: {  	[sflag:s29] =	ssyncadd.s32 $0xFFFFFFFF  }
0xb9: {  	_ =	strace $0x90000048  }
0xba: {  	_ =	sfence  }
0xbb: {  	s30 =	sld [smem:$0x0];
	_ =	sdelay $0x2  }
0xbc: {  	s31 =	sshll.u32 s1, $0xD;
	s1 =	sshrl.u32 s1, $0x2  }
0xbd: {  	s3 =	sand.u32 $0x4000, s31;
	s1 =	sadd.s32 s1, s30  }
0xbe: {  	s0 =	sor.u32 s3, s0;
	s1 =	sshll.u32 s1, $0x11  }
0xbf: {  	s0 =	sor.u32 s1, s0  }
0xc0: {  	s0 =	sadd.s32 $0x8F2B, s0  }
0xc1: {  	[sflag:s0] =	ssyncadd.remote.s32 $0x1  }
0xc2: {  	_ =	sfence.sel $0xFFFF  }
0xc3: {  	[dreg:$0x0] =	wrdreg $0xFFFFFFFF;
	(pc) =	sbr.abs _section_cstart, $3  }
0xc4: {  	[dreg:$0x1] =	wrdreg $0xFFFFFFFF  }
0xc5: {  	_ =	task.clear_ibuf [dreg:s9], $0x2FFFF;
	_ =	strace $0x9FFFFFFF  }
0xc6: {  	(tm) =	ssettm $0x7FFFFFFF  }
0xc7: {  	_ =	shalt  }
tec
execute0_lowered:
.L_overlay_start_1:
0x0: {  	(tag) =	ssettag $0x1  }
0x1: {  	s0 =	rddreg [dreg:$0x1]  }
0x2: {  	s3 =	rddreg [dreg:$0x2];
	s1 =	srdreg.scid  }
0x3: {  	s2 =	stileid.u32;
	s5 =	simm.s32 $0x0;
	s10 =	simm.s32 $0x2  }
0x4: {  	s12 =	simm.s32 $0x880;
	s13 =	simm.s32 $0x1080;
	s14 =	simm.s32 $0x1880  }
0x5: {  	s15 =	simm.s32 $0x2080;
	s16 =	simm.s32 $0x2880;
	s17 =	simm.s32 $0x3080  }
0x6: {  	s18 =	simm.s32 $0x3880;
	s19 =	simm.s32 $0x4080;
	s20 =	simm.s32 $0x4880  }
0x7: {  	s21 =	simm.s32 $0x5080;
	s22 =	simm.s32 $0x5880;
	s23 =	simm.s32 $0x6080  }
0x8: {  	s24 =	simm.s32 $0x6880;
	s1 =	sand.u32 $0x1, s1;
	s2 =	sshll.u32 s2, $0x1  }
0x9: {  	s25 =	simm.s32 $0x7080;
	s26 =	simm.s32 $0x7880;
	s2 =	sor.u32 s1, s2  }
0xa: {  	s28 =	simm.s32 $0x1;
	s1 =	ssub.s32 $0x2, s1;
	s4 =	sshll.u32 s2, $0x4  }
0xb: {  	s29 =	simm.s32 $0x8080;
	s6 =	sshrl.u32 s1, $0x1;
	s0 =	sadd.s32 s4, s0  }
0xc: {  	v3 =	vlaneseq.u32;
	vm0 =	vmmov $0xffff;
	[smem:$0x7FF] =	sst s5;
	s1 =	ssub.s32 s1, s6;
	s0 =	sadd.s32 $0x400, s0  }
0xd: {  	v4 =	vimm.f32 $0.0e+00;
	v0 =	vand.u32 $0x7, v3;
	v2 =	vshrl.u32 v3, $0x3;
	_ =	strace $0x80000047;
	s31 =	smax.u32 s1, $0x1;
	[dreg:$0x5] =	wrdreg s0  }
0xe: {  	v3 =	vor.u32 $0x8, v3;
	v1 =	vmul.u32 $0x400, v0;
	v2 =	vmul.u32 $0x8, v2;
	s6 =	sshll.u32 s2, $0xA;
	s1 =	simm.s32 $0x0;
	[dreg:$0x6] =	wrdreg s31  }
.LBB2_1:
0xf: {  	[dreg:$0x7] =	wrdreg s1  }
0x10: {  	s0 =	rddreg [dreg:$0x5];
	s31 =	simm.s32 $0x9080  }
0x11: {  	[tilespmem:s31], [sflag:$0x2] =	stream.linear.gather [hbm4b:s0+s5], $0x80, $0x38;
	[tilespmem:$0x9100] =	vst v63  }
0x12: {  	_ =	swait.ge [sflag:s10], $0x80  }
0x13: {  	[sflag:s10] =	ssyncset.done $0x0  }
0x14: {  	[sflag:s10] =	ssyncadd.s32 $0xFFFFFF80  }
0x15: {  	s1 =	simm.s32 $0x0;
	s0 =	simm.s32 $0x0;
	v5 =	vld [tilespmem:$0x9080]  }
.LBB2_2:
0x16: {  	s2 =	sshll.u32 s0, $0x4  }
0x17: {  	s4 =	rddreg [dreg:$0x0];
	s2 =	sadd.s32 s6, s2  }
0x18: {  	s9 =	simm.s32 $0x0;
	s4 =	sadd.s32 s4, s2  }
0x19: {  	[tilespmem:s9], [sflag:$0x2] =	stream.linear.gather [hbm4b:s4+s9], $0x80, $0x38;
	[tilespmem:$0x9100] =	vst v63  }
0x1a: {  	_ =	swait.ge [sflag:s10], $0x80  }
0x1b: {  	[sflag:s10] =	ssyncset.done $0x0  }
0x1c: {  	[sflag:s10] =	ssyncadd.s32 $0xFFFFFF80  }
0x1d: {  	v6 =	vld [tilespmem:$0x0];
	_ =	sdelay $0x2  }
0x1e: {  	v7 =	vld [tilespmem:$0x10]  }
0x1f: {  	v8 =	vld [tilespmem:$0x20]  }
0x20: {  	v10 =	vld [tilespmem:$0x30];
	v9 =	vadd.s32 v1, v6  }
0x21: {  	v11 =	vld [tilespmem:$0x40];
	v12 =	vshll.u32 v9, $0x1  }
0x22: {  	v13 =	vld [tilespmem:$0x50];
	v6 =	vand.u32 $0x7, v6;
	v12 =	vand.u32 $0xFFFFFFF0, v12  }
0x23: {  	v7 =	vadd.s32 v1, v7;
	[tilespmem:$0x0] =	vst v9;
	v9 =	vld [tilespmem:$0x60];
	v6 =	vor.u32 v6, v12  }
0x24: {  	[tilespmem:$0x10] =	vst v7;
	v7 =	vadd.s32 v1, v8;
	v8 =	vld [tilespmem:$0x70];
	v12 =	vperm.xlane v6, v0  }
0x25: {  	[tilespmem:$0x20] =	vst v7;
	v7 =	vadd.s32 v1, v10  }
0x26: {  	[tilespmem:$0x30] =	vst v7;
	v7 =	vadd.s32 v1, v11;
	v6 =	vperm.xlane v6, v3;
	v10 =	vadd.s32 v2, v12  }
0x27: {  	[tilespmem:$0x40] =	vst v7;
	v7 =	vadd.s32 v1, v13  }
0x28: {  	[tilespmem:$0x50] =	vst v7;
	v7 =	vadd.s32 v1, v9;
	v6 =	vadd.s32 v2, v6  }
0x29: {  	[tilespmem:$0x60] =	vst v7;
	v7 =	vadd.s32 v1, v8  }
0x2a: {  	s8 =	simm.s32 $0x80;
	[tilespmem:$0x70] =	vst v7  }
0x2b: {  	[tilespmem:s8], [sflag:$0x1] =	stream.indirect_vreg.gather [hbm4b:s3+s9], $0x80, v10, vm0, $0xb8;
	[tilespmem:$0x9100] =	vst v63  }
0x2c: {  	_ = 	snop  }
0x2d: {  	[tilespmem:s12], [sflag:$0x1] =	stream.indirect_vreg.gather [hbm4b:s3+s9], $0x80, v6, vm0, $0xb8;
	[tilespmem:$0x9100] =	vst v63  }
0x2e: {  	v6 =	vld [tilespmem:$0x10];
	_ =	sdelay $0x4  }
0x2f: {  	v7 =	vshll.u32 v6, $0x1  }
0x30: {  	v6 =	vand.u32 $0x7, v6;
	v7 =	vand.u32 $0xFFFFFFF0, v7  }
0x31: {  	v6 =	vor.u32 v6, v7  }
0x32: {  	v7 =	vperm.xlane v6, v0;
	_ =	sdelay $0x1  }
0x33: {  	v6 =	vperm.xlane v6, v3;
	v7 =	vadd.s32 v2, v7;
	_ =	sdelay $0x1  }
0x34: {  	v6 =	vadd.s32 v2, v6;
	_ =	sdelay $0x2  }
0x35: {  	[tilespmem:s13], [sflag:$0x1] =	stream.indirect_vreg.gather [hbm4b:s3+s9], $0x80, v7, vm0, $0xb8;
	[tilespmem:$0x9100] =	vst v63  }
0x36: {  	_ = 	snop  }
0x37: {  	[tilespmem:s14], [sflag:$0x1] =	stream.indirect_vreg.gather [hbm4b:s3+s9], $0x80, v6, vm0, $0xb8;
	[tilespmem:$0x9100] =	vst v63  }
0x38: {  	v6 =	vld [tilespmem:$0x20];
	_ =	sdelay $0x4  }
0x39: {  	v7 =	vshll.u32 v6, $0x1  }
0x3a: {  	v6 =	vand.u32 $0x7, v6;
	v7 =	vand.u32 $0xFFFFFFF0, v7  }
0x3b: {  	v6 =	vor.u32 v6, v7  }
0x3c: {  	v7 =	vperm.xlane v6, v0;
	_ =	sdelay $0x1  }
0x3d: {  	v6 =	vperm.xlane v6, v3;
	v7 =	vadd.s32 v2, v7;
	_ =	sdelay $0x1  }
0x3e: {  	v6 =	vadd.s32 v2, v6;
	_ =	sdelay $0x2  }
0x3f: {  	[tilespmem:s15], [sflag:$0x1] =	stream.indirect_vreg.gather [hbm4b:s3+s9], $0x80, v7, vm0, $0xb8;
	[tilespmem:$0x9100] =	vst v63  }
0x40: {  	_ = 	snop  }
0x41: {  	[tilespmem:s16], [sflag:$0x1] =	stream.indirect_vreg.gather [hbm4b:s3+s9], $0x80, v6, vm0, $0xb8;
	[tilespmem:$0x9100] =	vst v63  }
0x42: {  	v6 =	vld [tilespmem:$0x30];
	_ =	sdelay $0x4  }
0x43: {  	v7 =	vshll.u32 v6, $0x1  }
0x44: {  	v6 =	vand.u32 $0x7, v6;
	v7 =	vand.u32 $0xFFFFFFF0, v7  }
0x45: {  	v6 =	vor.u32 v6, v7  }
0x46: {  	v7 =	vperm.xlane v6, v0;
	_ =	sdelay $0x1  }
0x47: {  	v6 =	vperm.xlane v6, v3;
	v7 =	vadd.s32 v2, v7;
	_ =	sdelay $0x1  }
0x48: {  	v6 =	vadd.s32 v2, v6;
	_ =	sdelay $0x2  }
0x49: {  	[tilespmem:s17], [sflag:$0x1] =	stream.indirect_vreg.gather [hbm4b:s3+s9], $0x80, v7, vm0, $0xb8;
	[tilespmem:$0x9100] =	vst v63  }
0x4a: {  	_ = 	snop  }
0x4b: {  	[tilespmem:s18], [sflag:$0x1] =	stream.indirect_vreg.gather [hbm4b:s3+s9], $0x80, v6, vm0, $0xb8;
	[tilespmem:$0x9100] =	vst v63  }
0x4c: {  	v6 =	vld [tilespmem:$0x40];
	_ =	sdelay $0x4  }
0x4d: {  	v7 =	vshll.u32 v6, $0x1  }
0x4e: {  	v6 =	vand.u32 $0x7, v6;
	v7 =	vand.u32 $0xFFFFFFF0, v7  }
0x4f: {  	v6 =	vor.u32 v6, v7  }
0x50: {  	v7 =	vperm.xlane v6, v0;
	_ =	sdelay $0x1  }
0x51: {  	v6 =	vperm.xlane v6, v3;
	v7 =	vadd.s32 v2, v7;
	_ =	sdelay $0x1  }
0x52: {  	v6 =	vadd.s32 v2, v6;
	_ =	sdelay $0x2  }
0x53: {  	[tilespmem:s19], [sflag:$0x1] =	stream.indirect_vreg.gather [hbm4b:s3+s9], $0x80, v7, vm0, $0xb8;
	[tilespmem:$0x9100] =	vst v63  }
0x54: {  	_ = 	snop  }
0x55: {  	[tilespmem:s20], [sflag:$0x1] =	stream.indirect_vreg.gather [hbm4b:s3+s9], $0x80, v6, vm0, $0xb8;
	[tilespmem:$0x9100] =	vst v63  }
0x56: {  	v6 =	vld [tilespmem:$0x50];
	_ =	sdelay $0x4  }
0x57: {  	v7 =	vshll.u32 v6, $0x1  }
0x58: {  	v6 =	vand.u32 $0x7, v6;
	v7 =	vand.u32 $0xFFFFFFF0, v7  }
0x59: {  	v6 =	vor.u32 v6, v7  }
0x5a: {  	v7 =	vperm.xlane v6, v0;
	_ =	sdelay $0x1  }
0x5b: {  	v6 =	vperm.xlane v6, v3;
	v7 =	vadd.s32 v2, v7;
	_ =	sdelay $0x1  }
0x5c: {  	v6 =	vadd.s32 v2, v6;
	_ =	sdelay $0x2  }
0x5d: {  	[tilespmem:s21], [sflag:$0x1] =	stream.indirect_vreg.gather [hbm4b:s3+s9], $0x80, v7, vm0, $0xb8;
	[tilespmem:$0x9100] =	vst v63  }
0x5e: {  	_ = 	snop  }
0x5f: {  	[tilespmem:s22], [sflag:$0x1] =	stream.indirect_vreg.gather [hbm4b:s3+s9], $0x80, v6, vm0, $0xb8;
	[tilespmem:$0x9100] =	vst v63  }
0x60: {  	v6 =	vld [tilespmem:$0x60];
	_ =	sdelay $0x4  }
0x61: {  	v7 =	vshll.u32 v6, $0x1  }
0x62: {  	v6 =	vand.u32 $0x7, v6;
	v7 =	vand.u32 $0xFFFFFFF0, v7  }
0x63: {  	v6 =	vor.u32 v6, v7  }
0x64: {  	v7 =	vperm.xlane v6, v0;
	_ =	sdelay $0x1  }
0x65: {  	v6 =	vperm.xlane v6, v3;
	v7 =	vadd.s32 v2, v7;
	_ =	sdelay $0x1  }
0x66: {  	v6 =	vadd.s32 v2, v6;
	_ =	sdelay $0x2  }
0x67: {  	[tilespmem:s23], [sflag:$0x1] =	stream.indirect_vreg.gather [hbm4b:s3+s9], $0x80, v7, vm0, $0xb8;
	[tilespmem:$0x9100] =	vst v63  }
0x68: {  	_ = 	snop  }
0x69: {  	[tilespmem:s24], [sflag:$0x1] =	stream.indirect_vreg.gather [hbm4b:s3+s9], $0x80, v6, vm0, $0xb8;
	[tilespmem:$0x9100] =	vst v63  }
0x6a: {  	v6 =	vld [tilespmem:$0x70];
	_ =	sdelay $0x4  }
0x6b: {  	v7 =	vshll.u32 v6, $0x1  }
0x6c: {  	v6 =	vand.u32 $0x7, v6;
	v7 =	vand.u32 $0xFFFFFFF0, v7  }
0x6d: {  	v6 =	vor.u32 v6, v7  }
0x6e: {  	v7 =	vperm.xlane v6, v0;
	_ =	sdelay $0x1  }
0x6f: {  	v6 =	vperm.xlane v6, v3;
	v7 =	vadd.s32 v2, v7;
	_ =	sdelay $0x1  }
0x70: {  	v6 =	vadd.s32 v2, v6;
	_ =	sdelay $0x2  }
0x71: {  	[tilespmem:s25], [sflag:$0x1] =	stream.indirect_vreg.gather [hbm4b:s3+s9], $0x80, v7, vm0, $0xb8;
	[tilespmem:$0x9100] =	vst v63  }
0x72: {  	_ = 	snop  }
0x73: {  	[tilespmem:s26], [sflag:$0x1] =	stream.indirect_vreg.gather [hbm4b:s3+s9], $0x80, v6, vm0, $0xb8;
	[tilespmem:$0x9100] =	vst v63  }
0x74: {  	_ =	swait.ge [sflag:s28], $0x8000  }
0x75: {  	[sflag:s28] =	ssyncset.done $0x0  }
0x76: {  	s7 =	simm.s32 $0x480;
	[sflag:s28] =	ssyncadd.s32 $0xFFFF8000  }
0x77: {  	v6 =	vld [tilespmem:s7+$0xFFFFFC00]  }
0x78: {  	v7 =	vld [tilespmem:s7+$0xFFFFFC80];
	_ =	sdelay $0x1  }
0x79: {  	v8 =	vld [tilespmem:s7+$0xFFFFFD00];
	_ =	sdelay $0x1  }
0x7a: {  	v9 =	vld [tilespmem:s7+$0xFFFFFD80]  }
0x7b: {  	v6 =	vadd.f32 v7, v6  }
0x7c: {  	v7 =	vld [tilespmem:s7+$0xFFFFFE00]  }
0x7d: {  	v6 =	vadd.f32 v8, v6  }
0x7e: {  	v8 =	vld [tilespmem:s7+$0xFFFFFE80]  }
0x7f: {  	v6 =	vadd.f32 v9, v6  }
0x80: {  	v9 =	vld [tilespmem:s7+$0xFFFFFF00]  }
0x81: {  	v6 =	vadd.f32 v7, v6  }
0x82: {  	v7 =	vld [tilespmem:s7+$0xFFFFFF80]  }
0x83: {  	v6 =	vadd.f32 v8, v6;
	_ =	sdelay $0x1  }
0x84: {  	v6 =	vadd.f32 v9, v6  }
0x85: {  	v8 =	vmov s1  }
0x86: {  	vm1 =	vlt.s32 v8, v5;
	v7 =	vadd.f32 v7, v6  }
0x87: {  	v6 =	vsel vm1, $0x3F800000, v4  }
0x88: {  	s11 =	sand.u32 $0x800, s9;
	s8 =	sand.u32 $0x380, s9;
	v7 =	vmul.f32 v7, v6  }
0x89: {  	s8 =	sor.u32 s8, s11  }
0x8a: {  	[tilespmem:s8+$0x8080] =	vst v7  }
0x8b: {  	v7 =	vld [tilespmem:s7+$0xFFFFFC10]  }
0x8c: {  	v8 =	vld [tilespmem:s7+$0xFFFFFC90];
	_ =	sdelay $0x1  }
0x8d: {  	v9 =	vld [tilespmem:s7+$0xFFFFFD10];
	_ =	sdelay $0x1  }
0x8e: {  	v10 =	vld [tilespmem:s7+$0xFFFFFD90]  }
0x8f: {  	v7 =	vadd.f32 v8, v7  }
0x90: {  	v8 =	vld [tilespmem:s7+$0xFFFFFE10]  }
0x91: {  	v7 =	vadd.f32 v9, v7  }
0x92: {  	v9 =	vld [tilespmem:s7+$0xFFFFFE90]  }
0x93: {  	v7 =	vadd.f32 v10, v7  }
0x94: {  	v10 =	vld [tilespmem:s7+$0xFFFFFF10]  }
0x95: {  	v7 =	vadd.f32 v8, v7  }
0x96: {  	v8 =	vld [tilespmem:s7+$0xFFFFFF90]  }
0x97: {  	v7 =	vadd.f32 v9, v7;
	_ =	sdelay $0x1  }
0x98: {  	v7 =	vadd.f32 v10, v7;
	_ =	sdelay $0x1  }
0x99: {  	v7 =	vadd.f32 v8, v7;
	_ =	sdelay $0x1  }
0x9a: {  	v7 =	vmul.f32 v7, v6;
	_ =	sdelay $0x1  }
0x9b: {  	[tilespmem:s8+$0x8090] =	vst v7  }
0x9c: {  	v7 =	vld [tilespmem:s7+$0xFFFFFC20]  }
0x9d: {  	v8 =	vld [tilespmem:s7+$0xFFFFFCA0];
	_ =	sdelay $0x1  }
0x9e: {  	v9 =	vld [tilespmem:s7+$0xFFFFFD20];
	_ =	sdelay $0x1  }
0x9f: {  	v10 =	vld [tilespmem:s7+$0xFFFFFDA0]  }
0xa0: {  	v7 =	vadd.f32 v8, v7  }
0xa1: {  	v8 =	vld [tilespmem:s7+$0xFFFFFE20]  }
0xa2: {  	v7 =	vadd.f32 v9, v7  }
0xa3: {  	v9 =	vld [tilespmem:s7+$0xFFFFFEA0]  }
0xa4: {  	v7 =	vadd.f32 v10, v7  }
0xa5: {  	v10 =	vld [tilespmem:s7+$0xFFFFFF20]  }
0xa6: {  	v7 =	vadd.f32 v8, v7  }
0xa7: {  	v8 =	vld [tilespmem:s7+$0xFFFFFFA0]  }
0xa8: {  	v7 =	vadd.f32 v9, v7;
	_ =	sdelay $0x1  }
0xa9: {  	v7 =	vadd.f32 v10, v7;
	_ =	sdelay $0x1  }
0xaa: {  	v7 =	vadd.f32 v8, v7;
	_ =	sdelay $0x1  }
0xab: {  	v7 =	vmul.f32 v7, v6;
	_ =	sdelay $0x1  }
0xac: {  	[tilespmem:s8+$0x80A0] =	vst v7  }
0xad: {  	v7 =	vld [tilespmem:s7+$0xFFFFFC30]  }
0xae: {  	v8 =	vld [tilespmem:s7+$0xFFFFFCB0];
	_ =	sdelay $0x1  }
0xaf: {  	v9 =	vld [tilespmem:s7+$0xFFFFFD30];
	_ =	sdelay $0x1  }
0xb0: {  	v10 =	vld [tilespmem:s7+$0xFFFFFDB0]  }
0xb1: {  	v7 =	vadd.f32 v8, v7  }
0xb2: {  	v8 =	vld [tilespmem:s7+$0xFFFFFE30]  }
0xb3: {  	v7 =	vadd.f32 v9, v7  }
0xb4: {  	v9 =	vld [tilespmem:s7+$0xFFFFFEB0]  }
0xb5: {  	v7 =	vadd.f32 v10, v7  }
0xb6: {  	v10 =	vld [tilespmem:s7+$0xFFFFFF30]  }
0xb7: {  	v7 =	vadd.f32 v8, v7  }
0xb8: {  	v8 =	vld [tilespmem:s7+$0xFFFFFFB0]  }
0xb9: {  	v7 =	vadd.f32 v9, v7;
	_ =	sdelay $0x1  }
0xba: {  	v7 =	vadd.f32 v10, v7;
	_ =	sdelay $0x1  }
0xbb: {  	v7 =	vadd.f32 v8, v7;
	_ =	sdelay $0x1  }
0xbc: {  	v7 =	vmul.f32 v7, v6;
	_ =	sdelay $0x1  }
0xbd: {  	[tilespmem:s8+$0x80B0] =	vst v7  }
0xbe: {  	v7 =	vld [tilespmem:s7+$0xFFFFFC40]  }
0xbf: {  	v8 =	vld [tilespmem:s7+$0xFFFFFCC0];
	_ =	sdelay $0x1  }
0xc0: {  	v9 =	vld [tilespmem:s7+$0xFFFFFD40];
	_ =	sdelay $0x1  }
0xc1: {  	v10 =	vld [tilespmem:s7+$0xFFFFFDC0]  }
0xc2: {  	v7 =	vadd.f32 v8, v7  }
0xc3: {  	v8 =	vld [tilespmem:s7+$0xFFFFFE40]  }
0xc4: {  	v7 =	vadd.f32 v9, v7  }
0xc5: {  	v9 =	vld [tilespmem:s7+$0xFFFFFEC0]  }
0xc6: {  	v7 =	vadd.f32 v10, v7  }
0xc7: {  	v10 =	vld [tilespmem:s7+$0xFFFFFF40]  }
0xc8: {  	v7 =	vadd.f32 v8, v7  }
0xc9: {  	v8 =	vld [tilespmem:s7+$0xFFFFFFC0]  }
0xca: {  	v7 =	vadd.f32 v9, v7;
	_ =	sdelay $0x1  }
0xcb: {  	v7 =	vadd.f32 v10, v7;
	_ =	sdelay $0x1  }
0xcc: {  	v7 =	vadd.f32 v8, v7;
	_ =	sdelay $0x1  }
0xcd: {  	v7 =	vmul.f32 v7, v6;
	_ =	sdelay $0x1  }
0xce: {  	[tilespmem:s8+$0x80C0] =	vst v7  }
0xcf: {  	v7 =	vld [tilespmem:s7+$0xFFFFFC50]  }
0xd0: {  	v8 =	vld [tilespmem:s7+$0xFFFFFCD0];
	_ =	sdelay $0x1  }
0xd1: {  	v9 =	vld [tilespmem:s7+$0xFFFFFD50];
	_ =	sdelay $0x1  }
0xd2: {  	v10 =	vld [tilespmem:s7+$0xFFFFFDD0]  }
0xd3: {  	v7 =	vadd.f32 v8, v7  }
0xd4: {  	v8 =	vld [tilespmem:s7+$0xFFFFFE50]  }
0xd5: {  	v7 =	vadd.f32 v9, v7  }
0xd6: {  	v9 =	vld [tilespmem:s7+$0xFFFFFED0]  }
0xd7: {  	v7 =	vadd.f32 v10, v7  }
0xd8: {  	v10 =	vld [tilespmem:s7+$0xFFFFFF50]  }
0xd9: {  	v7 =	vadd.f32 v8, v7  }
0xda: {  	v8 =	vld [tilespmem:s7+$0xFFFFFFD0]  }
0xdb: {  	v7 =	vadd.f32 v9, v7;
	_ =	sdelay $0x1  }
0xdc: {  	v7 =	vadd.f32 v10, v7;
	_ =	sdelay $0x1  }
0xdd: {  	v7 =	vadd.f32 v8, v7;
	_ =	sdelay $0x1  }
0xde: {  	v7 =	vmul.f32 v7, v6;
	_ =	sdelay $0x1  }
0xdf: {  	[tilespmem:s8+$0x80D0] =	vst v7  }
0xe0: {  	v7 =	vld [tilespmem:s7+$0xFFFFFC60]  }
0xe1: {  	v8 =	vld [tilespmem:s7+$0xFFFFFCE0];
	_ =	sdelay $0x1  }
0xe2: {  	v9 =	vld [tilespmem:s7+$0xFFFFFD60];
	_ =	sdelay $0x1  }
0xe3: {  	v10 =	vld [tilespmem:s7+$0xFFFFFDE0]  }
0xe4: {  	v7 =	vadd.f32 v8, v7  }
0xe5: {  	v8 =	vld [tilespmem:s7+$0xFFFFFE60]  }
0xe6: {  	v7 =	vadd.f32 v9, v7  }
0xe7: {  	v9 =	vld [tilespmem:s7+$0xFFFFFEE0]  }
0xe8: {  	v7 =	vadd.f32 v10, v7  }
0xe9: {  	v10 =	vld [tilespmem:s7+$0xFFFFFF60]  }
0xea: {  	v7 =	vadd.f32 v8, v7  }
0xeb: {  	v8 =	vld [tilespmem:s7+$0xFFFFFFE0]  }
0xec: {  	v7 =	vadd.f32 v9, v7;
	_ =	sdelay $0x1  }
0xed: {  	v7 =	vadd.f32 v10, v7;
	_ =	sdelay $0x1  }
0xee: {  	v7 =	vadd.f32 v8, v7;
	_ =	sdelay $0x1  }
0xef: {  	v7 =	vmul.f32 v7, v6;
	_ =	sdelay $0x1  }
0xf0: {  	[tilespmem:s8+$0x80E0] =	vst v7  }
0xf1: {  	v7 =	vld [tilespmem:s7+$0xFFFFFC70]  }
0xf2: {  	v8 =	vld [tilespmem:s7+$0xFFFFFCF0];
	_ =	sdelay $0x1  }
0xf3: {  	v9 =	vld [tilespmem:s7+$0xFFFFFD70];
	_ =	sdelay $0x1  }
0xf4: {  	v10 =	vld [tilespmem:s7+$0xFFFFFDF0]  }
0xf5: {  	v7 =	vadd.f32 v8, v7  }
0xf6: {  	v8 =	vld [tilespmem:s7+$0xFFFFFE70]  }
0xf7: {  	v7 =	vadd.f32 v9, v7  }
0xf8: {  	v9 =	vld [tilespmem:s7+$0xFFFFFEF0]  }
0xf9: {  	v7 =	vadd.f32 v10, v7  }
0xfa: {  	v10 =	vld [tilespmem:s7+$0xFFFFFF70]  }
0xfb: {  	v7 =	vadd.f32 v8, v7  }
0xfc: {  	v8 =	vld [tilespmem:s7+$0xFFFFFFF0]  }
0xfd: {  	v7 =	vadd.f32 v9, v7;
	_ =	sdelay $0x1  }
0xfe: {  	v7 =	vadd.f32 v10, v7;
	_ =	sdelay $0x1  }
0xff: {  	v7 =	vadd.f32 v8, v7;
	_ =	sdelay $0x1  }
0x100: {  	v7 =	vmul.f32 v7, v6;
	_ =	sdelay $0x1  }
0x101: {  	[tilespmem:s8+$0x80F0] =	vst v7  }
0x102: {  	v7 =	vld [tilespmem:s7+$0x0]  }
0x103: {  	v8 =	vld [tilespmem:s7+$0x80];
	_ =	sdelay $0x1  }
0x104: {  	v9 =	vld [tilespmem:s7+$0x100];
	_ =	sdelay $0x1  }
0x105: {  	v10 =	vld [tilespmem:s7+$0x180]  }
0x106: {  	v7 =	vadd.f32 v8, v7  }
0x107: {  	v8 =	vld [tilespmem:s7+$0x200]  }
0x108: {  	v7 =	vadd.f32 v9, v7  }
0x109: {  	v9 =	vld [tilespmem:s7+$0x280]  }
0x10a: {  	v7 =	vadd.f32 v10, v7  }
0x10b: {  	v10 =	vld [tilespmem:s7+$0x300]  }
0x10c: {  	v7 =	vadd.f32 v8, v7  }
0x10d: {  	v8 =	vld [tilespmem:s7+$0x380]  }
0x10e: {  	v7 =	vadd.f32 v9, v7;
	_ =	sdelay $0x1  }
0x10f: {  	v7 =	vadd.f32 v10, v7;
	_ =	sdelay $0x1  }
0x110: {  	v7 =	vadd.f32 v8, v7;
	_ =	sdelay $0x1  }
0x111: {  	v7 =	vmul.f32 v7, v6;
	_ =	sdelay $0x1  }
0x112: {  	[tilespmem:s8+$0x8480] =	vst v7  }
0x113: {  	v7 =	vld [tilespmem:s7+$0x10]  }
0x114: {  	v8 =	vld [tilespmem:s7+$0x90];
	_ =	sdelay $0x1  }
0x115: {  	v9 =	vld [tilespmem:s7+$0x110];
	_ =	sdelay $0x1  }
0x116: {  	v10 =	vld [tilespmem:s7+$0x190]  }
0x117: {  	v7 =	vadd.f32 v8, v7  }
0x118: {  	v8 =	vld [tilespmem:s7+$0x210]  }
0x119: {  	v7 =	vadd.f32 v9, v7  }
0x11a: {  	v9 =	vld [tilespmem:s7+$0x290]  }
0x11b: {  	v7 =	vadd.f32 v10, v7  }
0x11c: {  	v10 =	vld [tilespmem:s7+$0x310]  }
0x11d: {  	v7 =	vadd.f32 v8, v7  }
0x11e: {  	v8 =	vld [tilespmem:s7+$0x390]  }
0x11f: {  	v7 =	vadd.f32 v9, v7;
	_ =	sdelay $0x1  }
0x120: {  	v7 =	vadd.f32 v10, v7;
	_ =	sdelay $0x1  }
0x121: {  	v7 =	vadd.f32 v8, v7;
	_ =	sdelay $0x1  }
0x122: {  	v7 =	vmul.f32 v7, v6;
	_ =	sdelay $0x1  }
0x123: {  	[tilespmem:s8+$0x8490] =	vst v7  }
0x124: {  	v7 =	vld [tilespmem:s7+$0x20]  }
0x125: {  	v8 =	vld [tilespmem:s7+$0xA0];
	_ =	sdelay $0x1  }
0x126: {  	v9 =	vld [tilespmem:s7+$0x120];
	_ =	sdelay $0x1  }
0x127: {  	v10 =	vld [tilespmem:s7+$0x1A0]  }
0x128: {  	v7 =	vadd.f32 v8, v7  }
0x129: {  	v8 =	vld [tilespmem:s7+$0x220]  }
0x12a: {  	v7 =	vadd.f32 v9, v7  }
0x12b: {  	v9 =	vld [tilespmem:s7+$0x2A0]  }
0x12c: {  	v7 =	vadd.f32 v10, v7  }
0x12d: {  	v10 =	vld [tilespmem:s7+$0x320]  }
0x12e: {  	v7 =	vadd.f32 v8, v7  }
0x12f: {  	v8 =	vld [tilespmem:s7+$0x3A0]  }
0x130: {  	v7 =	vadd.f32 v9, v7;
	_ =	sdelay $0x1  }
0x131: {  	v7 =	vadd.f32 v10, v7;
	_ =	sdelay $0x1  }
0x132: {  	v7 =	vadd.f32 v8, v7;
	_ =	sdelay $0x1  }
0x133: {  	v7 =	vmul.f32 v7, v6;
	_ =	sdelay $0x1  }
0x134: {  	[tilespmem:s8+$0x84A0] =	vst v7  }
0x135: {  	v7 =	vld [tilespmem:s7+$0x30]  }
0x136: {  	v8 =	vld [tilespmem:s7+$0xB0];
	_ =	sdelay $0x1  }
0x137: {  	v9 =	vld [tilespmem:s7+$0x130];
	_ =	sdelay $0x1  }
0x138: {  	v10 =	vld [tilespmem:s7+$0x1B0]  }
0x139: {  	v7 =	vadd.f32 v8, v7  }
0x13a: {  	v8 =	vld [tilespmem:s7+$0x230]  }
0x13b: {  	v7 =	vadd.f32 v9, v7  }
0x13c: {  	v9 =	vld [tilespmem:s7+$0x2B0]  }
0x13d: {  	v7 =	vadd.f32 v10, v7  }
0x13e: {  	v10 =	vld [tilespmem:s7+$0x330]  }
0x13f: {  	v7 =	vadd.f32 v8, v7  }
0x140: {  	v8 =	vld [tilespmem:s7+$0x3B0]  }
0x141: {  	v7 =	vadd.f32 v9, v7;
	_ =	sdelay $0x1  }
0x142: {  	v7 =	vadd.f32 v10, v7;
	_ =	sdelay $0x1  }
0x143: {  	v7 =	vadd.f32 v8, v7;
	_ =	sdelay $0x1  }
0x144: {  	v7 =	vmul.f32 v7, v6;
	_ =	sdelay $0x1  }
0x145: {  	[tilespmem:s8+$0x84B0] =	vst v7  }
0x146: {  	v7 =	vld [tilespmem:s7+$0x40]  }
0x147: {  	v8 =	vld [tilespmem:s7+$0xC0];
	_ =	sdelay $0x1  }
0x148: {  	v9 =	vld [tilespmem:s7+$0x140];
	_ =	sdelay $0x1  }
0x149: {  	v10 =	vld [tilespmem:s7+$0x1C0]  }
0x14a: {  	v7 =	vadd.f32 v8, v7  }
0x14b: {  	v8 =	vld [tilespmem:s7+$0x240]  }
0x14c: {  	v7 =	vadd.f32 v9, v7  }
0x14d: {  	v9 =	vld [tilespmem:s7+$0x2C0]  }
0x14e: {  	v7 =	vadd.f32 v10, v7  }
0x14f: {  	v10 =	vld [tilespmem:s7+$0x340]  }
0x150: {  	v7 =	vadd.f32 v8, v7  }
0x151: {  	v8 =	vld [tilespmem:s7+$0x3C0]  }
0x152: {  	v7 =	vadd.f32 v9, v7;
	_ =	sdelay $0x1  }
0x153: {  	v7 =	vadd.f32 v10, v7;
	_ =	sdelay $0x1  }
0x154: {  	v7 =	vadd.f32 v8, v7;
	_ =	sdelay $0x1  }
0x155: {  	v7 =	vmul.f32 v7, v6;
	_ =	sdelay $0x1  }
0x156: {  	[tilespmem:s8+$0x84C0] =	vst v7  }
0x157: {  	v7 =	vld [tilespmem:s7+$0x50]  }
0x158: {  	v8 =	vld [tilespmem:s7+$0xD0];
	_ =	sdelay $0x1  }
0x159: {  	v9 =	vld [tilespmem:s7+$0x150];
	_ =	sdelay $0x1  }
0x15a: {  	v10 =	vld [tilespmem:s7+$0x1D0]  }
0x15b: {  	v7 =	vadd.f32 v8, v7  }
0x15c: {  	v8 =	vld [tilespmem:s7+$0x250]  }
0x15d: {  	v7 =	vadd.f32 v9, v7  }
0x15e: {  	v9 =	vld [tilespmem:s7+$0x2D0]  }
0x15f: {  	v7 =	vadd.f32 v10, v7  }
0x160: {  	v10 =	vld [tilespmem:s7+$0x350]  }
0x161: {  	v7 =	vadd.f32 v8, v7  }
0x162: {  	v8 =	vld [tilespmem:s7+$0x3D0]  }
0x163: {  	v7 =	vadd.f32 v9, v7;
	_ =	sdelay $0x1  }
0x164: {  	v7 =	vadd.f32 v10, v7;
	_ =	sdelay $0x1  }
0x165: {  	v7 =	vadd.f32 v8, v7;
	_ =	sdelay $0x1  }
0x166: {  	v7 =	vmul.f32 v7, v6;
	_ =	sdelay $0x1  }
0x167: {  	[tilespmem:s8+$0x84D0] =	vst v7  }
0x168: {  	v7 =	vld [tilespmem:s7+$0x60]  }
0x169: {  	v8 =	vld [tilespmem:s7+$0xE0];
	_ =	sdelay $0x1  }
0x16a: {  	v9 =	vld [tilespmem:s7+$0x160];
	_ =	sdelay $0x1  }
0x16b: {  	v10 =	vld [tilespmem:s7+$0x1E0]  }
0x16c: {  	v7 =	vadd.f32 v8, v7  }
0x16d: {  	v8 =	vld [tilespmem:s7+$0x260]  }
0x16e: {  	v7 =	vadd.f32 v9, v7  }
0x16f: {  	v9 =	vld [tilespmem:s7+$0x2E0]  }
0x170: {  	v7 =	vadd.f32 v10, v7  }
0x171: {  	v10 =	vld [tilespmem:s7+$0x360]  }
0x172: {  	v7 =	vadd.f32 v8, v7  }
0x173: {  	v8 =	vld [tilespmem:s7+$0x3E0]  }
0x174: {  	v7 =	vadd.f32 v9, v7;
	_ =	sdelay $0x1  }
0x175: {  	v7 =	vadd.f32 v10, v7;
	_ =	sdelay $0x1  }
0x176: {  	v7 =	vadd.f32 v8, v7;
	_ =	sdelay $0x1  }
0x177: {  	v7 =	vmul.f32 v7, v6;
	_ =	sdelay $0x1  }
0x178: {  	[tilespmem:s8+$0x84E0] =	vst v7  }
0x179: {  	v11 =	vld [tilespmem:s7+$0x70]  }
0x17a: {  	v12 =	vld [tilespmem:s7+$0xF0]  }
0x17b: {  	v10 =	vld [tilespmem:s7+$0x170]  }
0x17c: {  	v9 =	vld [tilespmem:s7+$0x1F0]  }
0x17d: {  	v8 =	vld [tilespmem:s7+$0x270]  }
0x17e: {  	s30 =	simm.s32 $0x100;
	s31 =	smov.u32 s1;
	s4 =	simm.s32 $0x480;
	v7 =	vld [tilespmem:s7+$0x2F0]  }
.LBB2_3:
0x17f: {  	s9 =	sadd.s32 $0x80, s9  }
0x180: {  	v11 =	vadd.f32 v12, v11;
	v12 =	vld [tilespmem:s7+$0x370];
	s31 =	sadd.s32 $0x1, s31;
	s4 =	sadd.s32 $0x800, s4;
	s11 =	smov.u32 s30  }
0x181: {  	p0 =	sne.s32 s30, $0xF00;
	s30 =	sadd.s32 $0x100, s30;
	v13 =	vld [tilespmem:s7+$0x3F0];
	s7 =	smov.u32 s4  }
0x182: {  	v10 =	vadd.f32 v10, v11;
	_ =	sdelay $0x1  }
0x183: {  	v9 =	vadd.f32 v9, v10;
	_ =	sdelay $0x1  }
0x184: {  	v8 =	vadd.f32 v8, v9;
	_ =	sdelay $0x1  }
0x185: {  	v7 =	vadd.f32 v7, v8;
	_ =	sdelay $0x1  }
0x186: {  	v7 =	vadd.f32 v12, v7;
	_ =	sdelay $0x1  }
0x187: {  	v7 =	vadd.f32 v13, v7;
	_ =	sdelay $0x1  }
0x188: {  	v6 =	vmul.f32 v7, v6;
	_ =	sdelay $0x1  }
0x189: {  	[tilespmem:s8+$0x84F0] =	vst v6  }
0x18a: {  	v6 =	vld [tilespmem:s4+$0xFFFFFC00]  }
0x18b: {  	v7 =	vld [tilespmem:s4+$0xFFFFFC80]  }
0x18c: {  	v8 =	vld [tilespmem:s4+$0xFFFFFD00];
	_ =	sdelay $0x1  }
0x18d: {  	v9 =	vld [tilespmem:s4+$0xFFFFFD80];
	_ =	sdelay $0x1  }
0x18e: {  	v6 =	vadd.f32 v7, v6;
	v7 =	vld [tilespmem:s4+$0xFFFFFE00];
	_ =	sdelay $0x1  }
0x18f: {  	v6 =	vadd.f32 v8, v6;
	v8 =	vld [tilespmem:s4+$0xFFFFFE80];
	_ =	sdelay $0x1  }
0x190: {  	v6 =	vadd.f32 v9, v6;
	v9 =	vld [tilespmem:s4+$0xFFFFFF00];
	_ =	sdelay $0x1  }
0x191: {  	v6 =	vadd.f32 v7, v6  }
0x192: {  	v7 =	vld [tilespmem:s4+$0xFFFFFF80]  }
0x193: {  	v6 =	vadd.f32 v8, v6;
	_ =	sdelay $0x1  }
0x194: {  	v6 =	vadd.f32 v9, v6  }
0x195: {  	v8 =	vmov s31  }
0x196: {  	vm1 =	vlt.s32 v8, v5;
	v7 =	vadd.f32 v7, v6  }
0x197: {  	v6 =	vsel vm1, $0x3F800000, v4  }
0x198: {  	s8 =	sand.u32 $0x800, s11;
	s11 =	sand.u32 $0x380, s9;
	v7 =	vmul.f32 v7, v6  }
0x199: {  	s8 =	sor.u32 s11, s8  }
0x19a: {  	[tilespmem:s8+$0x8080] =	vst v7  }
0x19b: {  	v7 =	vld [tilespmem:s4+$0xFFFFFC10]  }
0x19c: {  	v8 =	vld [tilespmem:s4+$0xFFFFFC90];
	_ =	sdelay $0x1  }
0x19d: {  	v9 =	vld [tilespmem:s4+$0xFFFFFD10];
	_ =	sdelay $0x1  }
0x19e: {  	v10 =	vld [tilespmem:s4+$0xFFFFFD90]  }
0x19f: {  	v7 =	vadd.f32 v8, v7  }
0x1a0: {  	v8 =	vld [tilespmem:s4+$0xFFFFFE10]  }
0x1a1: {  	v7 =	vadd.f32 v9, v7  }
0x1a2: {  	v9 =	vld [tilespmem:s4+$0xFFFFFE90]  }
0x1a3: {  	v7 =	vadd.f32 v10, v7  }
0x1a4: {  	v10 =	vld [tilespmem:s4+$0xFFFFFF10]  }
0x1a5: {  	v7 =	vadd.f32 v8, v7  }
0x1a6: {  	v8 =	vld [tilespmem:s4+$0xFFFFFF90]  }
0x1a7: {  	v7 =	vadd.f32 v9, v7;
	_ =	sdelay $0x1  }
0x1a8: {  	v7 =	vadd.f32 v10, v7;
	_ =	sdelay $0x1  }
0x1a9: {  	v7 =	vadd.f32 v8, v7;
	_ =	sdelay $0x1  }
0x1aa: {  	v7 =	vmul.f32 v7, v6;
	_ =	sdelay $0x1  }
0x1ab: {  	[tilespmem:s8+$0x8090] =	vst v7  }
0x1ac: {  	v7 =	vld [tilespmem:s4+$0xFFFFFC20]  }
0x1ad: {  	v8 =	vld [tilespmem:s4+$0xFFFFFCA0];
	_ =	sdelay $0x1  }
0x1ae: {  	v9 =	vld [tilespmem:s4+$0xFFFFFD20];
	_ =	sdelay $0x1  }
0x1af: {  	v10 =	vld [tilespmem:s4+$0xFFFFFDA0]  }
0x1b0: {  	v7 =	vadd.f32 v8, v7  }
0x1b1: {  	v8 =	vld [tilespmem:s4+$0xFFFFFE20]  }
0x1b2: {  	v7 =	vadd.f32 v9, v7  }
0x1b3: {  	v9 =	vld [tilespmem:s4+$0xFFFFFEA0]  }
0x1b4: {  	v7 =	vadd.f32 v10, v7  }
0x1b5: {  	v10 =	vld [tilespmem:s4+$0xFFFFFF20]  }
0x1b6: {  	v7 =	vadd.f32 v8, v7  }
0x1b7: {  	v8 =	vld [tilespmem:s4+$0xFFFFFFA0]  }
0x1b8: {  	v7 =	vadd.f32 v9, v7;
	_ =	sdelay $0x1  }
0x1b9: {  	v7 =	vadd.f32 v10, v7;
	_ =	sdelay $0x1  }
0x1ba: {  	v7 =	vadd.f32 v8, v7;
	_ =	sdelay $0x1  }
0x1bb: {  	v7 =	vmul.f32 v7, v6;
	_ =	sdelay $0x1  }
0x1bc: {  	[tilespmem:s8+$0x80A0] =	vst v7  }
0x1bd: {  	v7 =	vld [tilespmem:s4+$0xFFFFFC30]  }
0x1be: {  	v8 =	vld [tilespmem:s4+$0xFFFFFCB0]  }
0x1bf: {  	v9 =	vld [tilespmem:s4+$0xFFFFFE30]  }
0x1c0: {  	v10 =	vld [tilespmem:s4+$0xFFFFFD30];
	_ =	sdelay $0x1  }
0x1c1: {  	v11 =	vld [tilespmem:s4+$0xFFFFFDB0]  }
0x1c2: {  	v7 =	vadd.f32 v8, v7;
	_ =	sdelay $0x1  }
0x1c3: {  	v7 =	vadd.f32 v10, v7  }
0x1c4: {  	v8 =	vld [tilespmem:s4+$0xFFFFFEB0]  }
0x1c5: {  	v7 =	vadd.f32 v11, v7  }
0x1c6: {  	v10 =	vld [tilespmem:s4+$0xFFFFFF30]  }
0x1c7: {  	v7 =	vadd.f32 v9, v7  }
0x1c8: {  	v9 =	vld [tilespmem:s4+$0xFFFFFFB0]  }
0x1c9: {  	v7 =	vadd.f32 v8, v7;
	_ =	sdelay $0x1  }
0x1ca: {  	v7 =	vadd.f32 v10, v7;
	_ =	sdelay $0x1  }
0x1cb: {  	v7 =	vadd.f32 v9, v7;
	_ =	sdelay $0x1  }
0x1cc: {  	v7 =	vmul.f32 v7, v6;
	_ =	sdelay $0x1  }
0x1cd: {  	[tilespmem:s8+$0x80B0] =	vst v7  }
0x1ce: {  	v7 =	vld [tilespmem:s4+$0xFFFFFC40]  }
0x1cf: {  	v8 =	vld [tilespmem:s4+$0xFFFFFCC0];
	_ =	sdelay $0x1  }
0x1d0: {  	v9 =	vld [tilespmem:s4+$0xFFFFFD40];
	_ =	sdelay $0x1  }
0x1d1: {  	v10 =	vld [tilespmem:s4+$0xFFFFFDC0]  }
0x1d2: {  	v7 =	vadd.f32 v8, v7  }
0x1d3: {  	v8 =	vld [tilespmem:s4+$0xFFFFFE40]  }
0x1d4: {  	v7 =	vadd.f32 v9, v7  }
0x1d5: {  	v9 =	vld [tilespmem:s4+$0xFFFFFEC0]  }
0x1d6: {  	v7 =	vadd.f32 v10, v7  }
0x1d7: {  	v10 =	vld [tilespmem:s4+$0xFFFFFF40]  }
0x1d8: {  	v7 =	vadd.f32 v8, v7  }
0x1d9: {  	v8 =	vld [tilespmem:s4+$0xFFFFFFC0]  }
0x1da: {  	v7 =	vadd.f32 v9, v7;
	_ =	sdelay $0x1  }
0x1db: {  	v7 =	vadd.f32 v10, v7;
	_ =	sdelay $0x1  }
0x1dc: {  	v7 =	vadd.f32 v8, v7;
	_ =	sdelay $0x1  }
0x1dd: {  	v7 =	vmul.f32 v7, v6;
	_ =	sdelay $0x1  }
0x1de: {  	[tilespmem:s8+$0x80C0] =	vst v7  }
0x1df: {  	v7 =	vld [tilespmem:s4+$0xFFFFFC50]  }
0x1e0: {  	v8 =	vld [tilespmem:s4+$0xFFFFFCD0]  }
0x1e1: {  	v9 =	vld [tilespmem:s4+$0xFFFFFD50]  }
0x1e2: {  	v10 =	vld [tilespmem:s4+$0xFFFFFDD0];
	_ =	sdelay $0x2  }
0x1e3: {  	v7 =	vadd.f32 v8, v7  }
0x1e4: {  	v8 =	vld [tilespmem:s4+$0xFFFFFE50]  }
0x1e5: {  	v7 =	vadd.f32 v9, v7  }
0x1e6: {  	v9 =	vld [tilespmem:s4+$0xFFFFFED0]  }
0x1e7: {  	v7 =	vadd.f32 v10, v7  }
0x1e8: {  	v10 =	vld [tilespmem:s4+$0xFFFFFF50]  }
0x1e9: {  	v7 =	vadd.f32 v8, v7  }
0x1ea: {  	v8 =	vld [tilespmem:s4+$0xFFFFFFD0]  }
0x1eb: {  	v7 =	vadd.f32 v9, v7;
	_ =	sdelay $0x1  }
0x1ec: {  	v7 =	vadd.f32 v10, v7;
	_ =	sdelay $0x1  }
0x1ed: {  	v7 =	vadd.f32 v8, v7;
	_ =	sdelay $0x1  }
0x1ee: {  	v7 =	vmul.f32 v7, v6;
	_ =	sdelay $0x1  }
0x1ef: {  	[tilespmem:s8+$0x80D0] =	vst v7  }
0x1f0: {  	v7 =	vld [tilespmem:s4+$0xFFFFFC60]  }
0x1f1: {  	v8 =	vld [tilespmem:s4+$0xFFFFFCE0]  }
0x1f2: {  	v9 =	vld [tilespmem:s4+$0xFFFFFD60]  }
0x1f3: {  	v10 =	vld [tilespmem:s4+$0xFFFFFDE0]  }
0x1f4: {  	v11 =	vld [tilespmem:s4+$0xFFFFFE60];
	_ =	sdelay $0x1  }
0x1f5: {  	v7 =	vadd.f32 v8, v7;
	_ =	sdelay $0x1  }
0x1f6: {  	v7 =	vadd.f32 v9, v7  }
0x1f7: {  	v8 =	vld [tilespmem:s4+$0xFFFFFEE0]  }
0x1f8: {  	v7 =	vadd.f32 v10, v7  }
0x1f9: {  	v9 =	vld [tilespmem:s4+$0xFFFFFF60]  }
0x1fa: {  	v7 =	vadd.f32 v11, v7  }
0x1fb: {  	v10 =	vld [tilespmem:s4+$0xFFFFFFE0]  }
0x1fc: {  	v7 =	vadd.f32 v8, v7;
	_ =	sdelay $0x1  }
0x1fd: {  	v7 =	vadd.f32 v9, v7;
	_ =	sdelay $0x1  }
0x1fe: {  	v7 =	vadd.f32 v10, v7;
	_ =	sdelay $0x1  }
0x1ff: {  	v7 =	vmul.f32 v7, v6;
	_ =	sdelay $0x1  }
0x200: {  	[tilespmem:s8+$0x80E0] =	vst v7  }
0x201: {  	v7 =	vld [tilespmem:s4+$0xFFFFFC70]  }
0x202: {  	v8 =	vld [tilespmem:s4+$0xFFFFFCF0]  }
0x203: {  	v9 =	vld [tilespmem:s4+$0xFFFFFE70]  }
0x204: {  	v10 =	vld [tilespmem:s4+$0xFFFFFD70];
	_ =	sdelay $0x1  }
0x205: {  	v11 =	vld [tilespmem:s4+$0xFFFFFDF0]  }
0x206: {  	v7 =	vadd.f32 v8, v7;
	_ =	sdelay $0x1  }
0x207: {  	v7 =	vadd.f32 v10, v7  }
0x208: {  	v8 =	vld [tilespmem:s4+$0xFFFFFEF0]  }
0x209: {  	v7 =	vadd.f32 v11, v7  }
0x20a: {  	v10 =	vld [tilespmem:s4+$0xFFFFFF70]  }
0x20b: {  	v7 =	vadd.f32 v9, v7  }
0x20c: {  	v9 =	vld [tilespmem:s4+$0xFFFFFFF0]  }
0x20d: {  	v7 =	vadd.f32 v8, v7;
	_ =	sdelay $0x1  }
0x20e: {  	v7 =	vadd.f32 v10, v7;
	_ =	sdelay $0x1  }
0x20f: {  	v7 =	vadd.f32 v9, v7;
	_ =	sdelay $0x1  }
0x210: {  	v7 =	vmul.f32 v7, v6;
	_ =	sdelay $0x1  }
0x211: {  	[tilespmem:s8+$0x80F0] =	vst v7  }
0x212: {  	v7 =	vld [tilespmem:s4+$0x0]  }
0x213: {  	v8 =	vld [tilespmem:s4+$0x80]  }
0x214: {  	v9 =	vld [tilespmem:s4+$0x100];
	_ =	sdelay $0x2  }
0x215: {  	v10 =	vld [tilespmem:s4+$0x180]  }
0x216: {  	v7 =	vadd.f32 v8, v7  }
0x217: {  	v8 =	vld [tilespmem:s4+$0x200]  }
0x218: {  	v7 =	vadd.f32 v9, v7  }
0x219: {  	v9 =	vld [tilespmem:s4+$0x280]  }
0x21a: {  	v7 =	vadd.f32 v10, v7  }
0x21b: {  	v10 =	vld [tilespmem:s4+$0x300]  }
0x21c: {  	v7 =	vadd.f32 v8, v7  }
0x21d: {  	v8 =	vld [tilespmem:s4+$0x380]  }
0x21e: {  	v7 =	vadd.f32 v9, v7;
	_ =	sdelay $0x1  }
0x21f: {  	v7 =	vadd.f32 v10, v7;
	_ =	sdelay $0x1  }
0x220: {  	v7 =	vadd.f32 v8, v7;
	_ =	sdelay $0x1  }
0x221: {  	v7 =	vmul.f32 v7, v6;
	_ =	sdelay $0x1  }
0x222: {  	[tilespmem:s8+$0x8480] =	vst v7  }
0x223: {  	v7 =	vld [tilespmem:s4+$0x10]  }
0x224: {  	v8 =	vld [tilespmem:s4+$0x90]  }
0x225: {  	v9 =	vld [tilespmem:s4+$0x110]  }
0x226: {  	v10 =	vld [tilespmem:s4+$0x190]  }
0x227: {  	v11 =	vld [tilespmem:s4+$0x210]  }
0x228: {  	v12 =	vld [tilespmem:s4+$0x290]  }
0x229: {  	v7 =	vadd.f32 v8, v7;
	v8 =	vld [tilespmem:s4+$0x310]  }
0x22a: {  	v13 =	vld [tilespmem:s4+$0x390]  }
0x22b: {  	v7 =	vadd.f32 v9, v7;
	_ =	sdelay $0x1  }
0x22c: {  	v7 =	vadd.f32 v10, v7;
	_ =	sdelay $0x1  }
0x22d: {  	v7 =	vadd.f32 v11, v7;
	_ =	sdelay $0x1  }
0x22e: {  	v7 =	vadd.f32 v12, v7;
	_ =	sdelay $0x1  }
0x22f: {  	v7 =	vadd.f32 v8, v7;
	_ =	sdelay $0x1  }
0x230: {  	v7 =	vadd.f32 v13, v7;
	_ =	sdelay $0x1  }
0x231: {  	v7 =	vmul.f32 v7, v6;
	_ =	sdelay $0x1  }
0x232: {  	[tilespmem:s8+$0x8490] =	vst v7  }
0x233: {  	v7 =	vld [tilespmem:s4+$0x20]  }
0x234: {  	v8 =	vld [tilespmem:s4+$0xA0]  }
0x235: {  	v9 =	vld [tilespmem:s4+$0x120]  }
0x236: {  	v10 =	vld [tilespmem:s4+$0x1A0]  }
0x237: {  	v11 =	vld [tilespmem:s4+$0x220]  }
0x238: {  	v12 =	vld [tilespmem:s4+$0x2A0]  }
0x239: {  	v7 =	vadd.f32 v8, v7;
	v8 =	vld [tilespmem:s4+$0x320]  }
0x23a: {  	v13 =	vld [tilespmem:s4+$0x3A0]  }
0x23b: {  	v7 =	vadd.f32 v9, v7;
	_ =	sdelay $0x1  }
0x23c: {  	v7 =	vadd.f32 v10, v7;
	_ =	sdelay $0x1  }
0x23d: {  	v7 =	vadd.f32 v11, v7;
	_ =	sdelay $0x1  }
0x23e: {  	v7 =	vadd.f32 v12, v7;
	_ =	sdelay $0x1  }
0x23f: {  	v7 =	vadd.f32 v8, v7;
	_ =	sdelay $0x1  }
0x240: {  	v7 =	vadd.f32 v13, v7;
	_ =	sdelay $0x1  }
0x241: {  	v7 =	vmul.f32 v7, v6;
	_ =	sdelay $0x1  }
0x242: {  	[tilespmem:s8+$0x84A0] =	vst v7  }
0x243: {  	v7 =	vld [tilespmem:s4+$0x30]  }
0x244: {  	v8 =	vld [tilespmem:s4+$0xB0]  }
0x245: {  	v9 =	vld [tilespmem:s4+$0x130]  }
0x246: {  	v10 =	vld [tilespmem:s4+$0x1B0]  }
0x247: {  	v11 =	vld [tilespmem:s4+$0x230]  }
0x248: {  	v12 =	vld [tilespmem:s4+$0x2B0]  }
0x249: {  	v7 =	vadd.f32 v8, v7;
	v8 =	vld [tilespmem:s4+$0x330]  }
0x24a: {  	v13 =	vld [tilespmem:s4+$0x3B0]  }
0x24b: {  	v7 =	vadd.f32 v9, v7;
	_ =	sdelay $0x1  }
0x24c: {  	v7 =	vadd.f32 v10, v7;
	_ =	sdelay $0x1  }
0x24d: {  	v7 =	vadd.f32 v11, v7;
	_ =	sdelay $0x1  }
0x24e: {  	v7 =	vadd.f32 v12, v7;
	_ =	sdelay $0x1  }
0x24f: {  	v7 =	vadd.f32 v8, v7;
	_ =	sdelay $0x1  }
0x250: {  	v7 =	vadd.f32 v13, v7;
	_ =	sdelay $0x1  }
0x251: {  	v7 =	vmul.f32 v7, v6;
	_ =	sdelay $0x1  }
0x252: {  	[tilespmem:s8+$0x84B0] =	vst v7  }
0x253: {  	v7 =	vld [tilespmem:s4+$0x40]  }
0x254: {  	v8 =	vld [tilespmem:s4+$0xC0]  }
0x255: {  	v9 =	vld [tilespmem:s4+$0x140]  }
0x256: {  	v10 =	vld [tilespmem:s4+$0x1C0]  }
0x257: {  	v11 =	vld [tilespmem:s4+$0x240]  }
0x258: {  	v12 =	vld [tilespmem:s4+$0x2C0]  }
0x259: {  	v7 =	vadd.f32 v8, v7;
	v8 =	vld [tilespmem:s4+$0x340]  }
0x25a: {  	v13 =	vld [tilespmem:s4+$0x3C0]  }
0x25b: {  	v7 =	vadd.f32 v9, v7;
	_ =	sdelay $0x1  }
0x25c: {  	v7 =	vadd.f32 v10, v7;
	_ =	sdelay $0x1  }
0x25d: {  	v7 =	vadd.f32 v11, v7;
	_ =	sdelay $0x1  }
0x25e: {  	v7 =	vadd.f32 v12, v7;
	_ =	sdelay $0x1  }
0x25f: {  	v7 =	vadd.f32 v8, v7;
	_ =	sdelay $0x1  }
0x260: {  	v7 =	vadd.f32 v13, v7;
	_ =	sdelay $0x1  }
0x261: {  	v7 =	vmul.f32 v7, v6;
	_ =	sdelay $0x1  }
0x262: {  	[tilespmem:s8+$0x84C0] =	vst v7  }
0x263: {  	v7 =	vld [tilespmem:s4+$0x50]  }
0x264: {  	v8 =	vld [tilespmem:s4+$0xD0]  }
0x265: {  	v9 =	vld [tilespmem:s4+$0x150]  }
0x266: {  	v10 =	vld [tilespmem:s4+$0x1D0]  }
0x267: {  	v11 =	vld [tilespmem:s4+$0x250]  }
0x268: {  	v12 =	vld [tilespmem:s4+$0x2D0]  }
0x269: {  	v7 =	vadd.f32 v8, v7;
	v8 =	vld [tilespmem:s4+$0x350]  }
0x26a: {  	v13 =	vld [tilespmem:s4+$0x3D0]  }
0x26b: {  	v7 =	vadd.f32 v9, v7;
	_ =	sdelay $0x1  }
0x26c: {  	v7 =	vadd.f32 v10, v7;
	_ =	sdelay $0x1  }
0x26d: {  	v7 =	vadd.f32 v11, v7;
	_ =	sdelay $0x1  }
0x26e: {  	v7 =	vadd.f32 v12, v7;
	_ =	sdelay $0x1  }
0x26f: {  	v7 =	vadd.f32 v8, v7;
	_ =	sdelay $0x1  }
0x270: {  	v7 =	vadd.f32 v13, v7;
	_ =	sdelay $0x1  }
0x271: {  	v7 =	vmul.f32 v7, v6;
	_ =	sdelay $0x1  }
0x272: {  	[tilespmem:s8+$0x84D0] =	vst v7  }
0x273: {  	v7 =	vld [tilespmem:s4+$0x60]  }
0x274: {  	v8 =	vld [tilespmem:s4+$0xE0]  }
0x275: {  	v9 =	vld [tilespmem:s4+$0x160]  }
0x276: {  	v10 =	vld [tilespmem:s4+$0x1E0]  }
0x277: {  	v11 =	vld [tilespmem:s4+$0x260]  }
0x278: {  	v12 =	vld [tilespmem:s4+$0x2E0]  }
0x279: {  	v7 =	vadd.f32 v8, v7;
	v8 =	vld [tilespmem:s4+$0x360]  }
0x27a: {  	v13 =	vld [tilespmem:s4+$0x3E0]  }
0x27b: {  	v7 =	vadd.f32 v9, v7;
	_ =	sdelay $0x1  }
0x27c: {  	v7 =	vadd.f32 v10, v7;
	_ =	sdelay $0x1  }
0x27d: {  	v7 =	vadd.f32 v11, v7;
	_ =	sdelay $0x1  }
0x27e: {  	v7 =	vadd.f32 v12, v7;
	_ =	sdelay $0x1  }
0x27f: {  	v7 =	vadd.f32 v8, v7;
	_ =	sdelay $0x1  }
0x280: {  	v7 =	vadd.f32 v13, v7;
	_ =	sdelay $0x1  }
0x281: {  	v7 =	vmul.f32 v7, v6;
	_ =	sdelay $0x1  }
0x282: {  	[tilespmem:s8+$0x84E0] =	vst v7  }
0x283: {  	v11 =	vld [tilespmem:s4+$0x70]  }
.Ltmp0:
0x284: {  	v12 =	vld [tilespmem:s4+$0xF0];
	(pc) =	sbr.rel @p0 .LBB2_3-.Ltmp0, $4  }
0x285: {  	v10 =	vld [tilespmem:s4+$0x170]  }
0x286: {  	v9 =	vld [tilespmem:s4+$0x1F0]  }
0x287: {  	v8 =	vld [tilespmem:s4+$0x270]  }
0x288: {  	v7 =	vld [tilespmem:s4+$0x2F0]  }
0x289: {  	v11 =	vadd.f32 v12, v11;
	_ =	sdelay $0x1  }
0x28a: {  	v10 =	vadd.f32 v10, v11;
	_ =	sdelay $0x1  }
0x28b: {  	v9 =	vadd.f32 v9, v10  }
0x28c: {  	v62 =	vld [tilespmem:s7+$0x370]  }
0x28d: {  	v8 =	vadd.f32 v8, v9  }
0x28e: {  	v63 =	vld [tilespmem:s7+$0x3F0]  }
0x28f: {  	v7 =	vadd.f32 v7, v8;
	_ =	sdelay $0x1  }
0x290: {  	v7 =	vadd.f32 v62, v7;
	_ =	sdelay $0x1  }
0x291: {  	v7 =	vadd.f32 v63, v7;
	_ =	sdelay $0x1  }
0x292: {  	s0 =	sadd.s32 $0x1, s0;
	v6 =	vmul.f32 v7, v6  }
0x293: {  	s2 =	sshll.u32 s2, $0x5;
	s4 =	rddreg [dreg:$0x3];
	p0 =	sne.s32 s0, $0x40  }
.Ltmp1:
0x294: {  	s2 =	sadd.s32 s4, s2;
	[tilespmem:s8+$0x84F0] =	vst v6;
	(pc) =	sbr.rel @p0 .LBB2_2-.Ltmp1, $4  }
0x295: {  	[hbm4b:s2+s5] =	stream.linear.scatter [tilespmem:s29], [sflag:$0x2], $0x1000, $0x38;
	[tilespmem:$0x9100] =	vst v63  }
0x296: {  	_ =	swait.ge [sflag:s10], $0x1000  }
0x297: {  	[sflag:s10] =	ssyncset.done $0x0  }
0x298: {  	s1 =	sadd.s32 $0x10, s1;
	[sflag:s10] =	ssyncadd.s32 $0xFFFFF000  }
0x299: {  	s1 =	rddreg [dreg:$0x7]  }
0x29a: {  	s0 =	rddreg [dreg:$0x6];
	s1 =	sadd.s32 $0x1, s1  }
0x29b: {  	p0 =	sne.s32 s1, s0  }
.Ltmp2:
0x29c: {  	_ = 	snop;
	(pc) =	sbr.rel @p0 .LBB2_1-.Ltmp2, $1  }
0x29d: {  	_ =	sdelay $0x3  }
0x29e: {  	_ =	sfence.sel $0x180000  }
0x29f: {  	[bflag:$0x0] =	sbarrier.arrive $0xFFFF  }
0x2a0: {  	_ =	strace $0x90000047  }
0x2a1: {  	s0 =	stileid.u32;
	[bflag:$0x2] =	sbarrier.arrive $0xFFFF  }
0x2a2: {  	p0 =	sne.s32 s0, $0x0;
	s0 =	rddreg [dreg:$0x4]  }
0x2a3: {  	s0 =	sadd.s32 @!p0 $0x100000, s0  }
0x2a4: {  	[sflag:s0] =	ssyncadd.tile.s32 @!p0 $0x1;
	_ =	shalt  }
.Lfunc_end2:
_tile_overlayer_lowered:
.L_overlay_start_2:
0x2a5: {  	(tag) =	ssettag $0x2  }
0x2a6: {  	s0 =	rddreg [dreg:$0x0];
	s2 =	stileid.u32  }
0x2a7: {  	s1 =	rddreg [dreg:$0x1];
	p0 =	sne.s32 s2, $0x0  }
0x2a8: {  	s3 =	rddreg [dreg:$0x2];
	[bflag:$0x3] =	sbarrier.arrive $0xFFFF;
	s2 =	simm.s32 @!p0 $0x1C02  }
0x2a9: {  	[timem:s3], [sflag:s2] =	dma.local @!p0 [hbm:s0], s1  }
0x2aa: {  	s0 =	simm.s32 @!p0 $0x2  }
0x2ab: {  	_ =	swait.ge @!p0 [sflag:s0], s1  }
0x2ac: {  	s1 =	ssub.s32 @!p0 $0x0, s1;
	[sflag:s0] =	ssyncset.done @!p0 $0x0  }
0x2ad: {  	[sflag:s0] =	ssyncadd.s32 @!p0 s1  }
0x2ae: {  	[bflag:$0x3] =	sbarrier.arrive $0xFFFF  }
0x2af: {  	_ =	shalt  }

</sc_bundles>
